<compile_context>
chip_gen: v7x
topology: tpu7x:2x2x1
jax: 0.10.2.dev20260603
libtpu: 0.0.44.dev20260713+nightly
codegen_flags: <defaults>
</compile_context>

<pallas_src>
import functools
import jax
import jax.numpy as jnp
from jax import lax
from jax.experimental import pallas as pl
from jax.experimental.pallas import tpu as pltpu
from jax.experimental.pallas import tpu_sc as plsc

N_NODES = 10000
NPAD = 10112
B_EDGES = 128
N_TILES = 32
EPAD = N_TILES * B_EDGES * 81
F32 = jnp.float32


def _mesh():
    return plsc.VectorSubcoreMesh(
        core_axis_name="c", subcore_axis_name="s", num_cores=2, num_subcores=16
    )


def _make_edge_kernel(ncols, va_off, groups, store_w):
    ept = EPAD // N_TILES
    nchunks = ept // B_EDGES
    rows_pt = NPAD // 16

    def body(htab, adtab, srcp, dstp, zros, out,
             src_v, dst_v, rows_v, arow_v, wrow_v, sem1, sem2, acc_sh):
        c = lax.axis_index("c")
        s = lax.axis_index("s")
        pltpu.sync_copy(zros.at[pl.ds(s * rows_pt, rows_pt)],
                        acc_sh.at[pl.ds(s * rows_pt, rows_pt)])
        plsc.subcore_barrier()

        base0 = (c * 16 + s) * ept

        @pl.loop(0, nchunks)
        def _chunk(g):
            base = base0 + g * B_EDGES
            pltpu.sync_copy(srcp.at[pl.ds(base, B_EDGES)], src_v)
            pltpu.sync_copy(dstp.at[pl.ds(base, B_EDGES)], dst_v)
            cp1 = pltpu.async_copy(htab.at[src_v], rows_v, sem1)
            cp2 = pltpu.async_copy(adtab.at[dst_v], arow_v, sem2)
            cp1.wait()
            cp2.wait()

            @pl.loop(0, B_EDGES)
            def _edge(j):
                va = rows_v[j, pl.ds(va_off, 16)]
                vb = arow_v[j, :]
                e = va + vb
                e = jnp.maximum(e, 0.2 * e)
                w16 = jnp.exp(e)
                if store_w:
                    wrow_v[j, pl.ds(va_off, 16)] = w16
                for g_i, lane in groups:
                    ws = w16[lane]
                    wrow_v[j, pl.ds(g_i * 16, 16)] = (
                        rows_v[j, pl.ds(g_i * 16, 16)] * ws)

            pltpu.sync_copy(wrow_v, acc_sh.at[dst_v], add=True)

        plsc.subcore_barrier()
        pltpu.sync_copy(acc_sh.at[pl.ds(s * rows_pt, rows_pt)],
                        out.at[c, pl.ds(s * rows_pt, rows_pt)])

    return pl.kernel(
        body,
        out_type=jax.ShapeDtypeStruct((2, NPAD, ncols), F32),
        mesh=_mesh(),
        compiler_params=pltpu.CompilerParams(use_tc_tiling_on_sc=False),
        scratch_types=[
            pltpu.VMEM((B_EDGES,), jnp.int32),
            pltpu.VMEM((B_EDGES,), jnp.int32),
            pltpu.VMEM((B_EDGES, ncols), F32),
            pltpu.VMEM((B_EDGES, 16), F32),
            pltpu.VMEM((B_EDGES, ncols), F32),
            pltpu.SemaphoreType.DMA,
            pltpu.SemaphoreType.DMA,
            pltpu.VMEM_SHARED((NPAD, ncols), F32),
        ],
    )


_edge1 = _make_edge_kernel(
    144, 128, [(h, h) for h in range(8)], store_w=True)
_edge2 = _make_edge_kernel(
    48, 32, [(0, 8), (1, 8), (2, 8)], store_w=False)


def _dense1_body(x_ref, wa_ref, wb_ref, o1_ref, o2_ref):
    xb = x_ref[...]
    o1_ref[...] = jnp.dot(xb, wa_ref[...], preferred_element_type=F32)
    o2_ref[...] = jnp.dot(xb, wb_ref[...], preferred_element_type=F32)


def _dense2_body(acc_ref, e8_ref, b1_ref, wa2_ref, wb2_ref, c41_ref,
                 o1_ref, o2_ref):
    a = acc_ref[0] + acc_ref[1]
    msg = a[:, :128]
    den = a[:, 128:136]
    denr = jnp.dot(den, e8_ref[...], preferred_element_type=F32)
    h1 = msg / (denr + 1e-16) + b1_ref[...]
    h1 = jnp.where(h1 > 0, h1, jnp.exp(h1) - 1.0)
    o1_ref[...] = jnp.dot(h1, wa2_ref[...], preferred_element_type=F32) \
        + c41_ref[...]
    o2_ref[...] = jnp.dot(h1, wb2_ref[...], preferred_element_type=F32)


def _final_body(acc_ref, b2_ref, o_ref):
    a = acc_ref[0] + acc_ref[1]
    msg = a[:, :40]
    den = a[:, 41:42]
    logit = msg / (den + 1e-16) + b2_ref[...]
    m = jnp.max(logit, axis=1, keepdims=True)
    ssum = jnp.sum(jnp.exp(logit - m), axis=1, keepdims=True)
    o_ref[...] = logit - m - jnp.log(ssum)


def kernel(x, edge_index, W1, att_src1, att_dst1, b1, W2, att_src2,
           att_dst2, b2):
    N = x.shape[0]
    H, C = att_src1.shape
    NCLS = W2.shape[1]
    E = edge_index.shape[1]

    eyeH = jnp.eye(H, dtype=F32)
    Asrc = (att_src1[:, :, None] * eyeH[:, None, :]).reshape(H * C, H)
    Adst = (att_dst1[:, :, None] * eyeH[:, None, :]).reshape(H * C, H)
    Wa = jnp.concatenate(
        [W1, W1 @ Asrc, jnp.zeros((W1.shape[0], 8), F32)], axis=1)
    Wb = jnp.concatenate(
        [W1 @ Adst, jnp.zeros((W1.shape[0], 8), F32)], axis=1)

    Wa2 = jnp.concatenate(
        [W2, (W2 @ att_src2[0])[:, None],
         jnp.zeros((W2.shape[0], 7), F32)], axis=1)
    Wb2 = jnp.concatenate(
        [jnp.zeros((W2.shape[0], 8), F32), (W2 @ att_dst2[0])[:, None],
         jnp.zeros((W2.shape[0], 7), F32)], axis=1)
    c41 = jnp.zeros((1, 48), F32).at[0, 41].set(1.0)
    e8 = jnp.kron(jnp.eye(8, dtype=F32), jnp.ones((1, 16), F32))

    xpad = jnp.concatenate([x, jnp.zeros((NPAD - N, x.shape[1]), F32)])
    loop_idx = jnp.arange(N, dtype=jnp.int32)
    pad_idx = jnp.full((EPAD - E - N,), N, jnp.int32)
    src = jnp.concatenate([edge_index[0].astype(jnp.int32), loop_idx, pad_idx])
    dst = jnp.concatenate([edge_index[1].astype(jnp.int32), loop_idx, pad_idx])
    zros144 = jnp.zeros((NPAD, 144), F32)
    zros48 = jnp.zeros((NPAD, 48), F32)

    htab, adtab = pl.pallas_call(
        _dense1_body,
        grid=(4,),
        in_specs=[
            pl.BlockSpec((NPAD // 4, 128), lambda i: (i, 0)),
            pl.BlockSpec((128, 144), lambda i: (0, 0)),
            pl.BlockSpec((128, 16), lambda i: (0, 0)),
        ],
        out_specs=[
            pl.BlockSpec((NPAD // 4, 144), lambda i: (i, 0)),
            pl.BlockSpec((NPAD // 4, 16), lambda i: (i, 0)),
        ],
        out_shape=[
            jax.ShapeDtypeStruct((NPAD, 144), F32),
            jax.ShapeDtypeStruct((NPAD, 16), F32),
        ],
    )(xpad, Wa, Wb)

    acc1 = _edge1(htab, adtab, src, dst, zros144)

    htab2, adtab2 = pl.pallas_call(
        _dense2_body,
        grid=(4,),
        in_specs=[
            pl.BlockSpec((2, NPAD // 4, 144), lambda i: (0, i, 0)),
            pl.BlockSpec((8, 128), lambda i: (0, 0)),
            pl.BlockSpec((1, 128), lambda i: (0, 0)),
            pl.BlockSpec((128, 48), lambda i: (0, 0)),
            pl.BlockSpec((128, 16), lambda i: (0, 0)),
            pl.BlockSpec((1, 48), lambda i: (0, 0)),
        ],
        out_specs=[
            pl.BlockSpec((NPAD // 4, 48), lambda i: (i, 0)),
            pl.BlockSpec((NPAD // 4, 16), lambda i: (i, 0)),
        ],
        out_shape=[
            jax.ShapeDtypeStruct((NPAD, 48), F32),
            jax.ShapeDtypeStruct((NPAD, 16), F32),
        ],
    )(acc1, e8, b1.reshape(1, -1), Wa2, Wb2, c41)

    acc2 = _edge2(htab2, adtab2, src, dst, zros48)

    out = pl.pallas_call(
        _final_body,
        grid=(10,),
        in_specs=[
            pl.BlockSpec((2, N // 10, 48), lambda i: (0, i, 0)),
            pl.BlockSpec((1, NCLS), lambda i: (0, 0)),
        ],
        out_specs=pl.BlockSpec((N // 10, NCLS), lambda i: (i, 0)),
        out_shape=jax.ShapeDtypeStruct((N, NCLS), F32),
    )(acc2, b2.reshape(1, -1))
    return out

# --- scband reference (transcript-rebuilt; emitter-appended) ---
"""Pipeline reference for scband-gat-81157702025673 (READ-ONLY COPY).

The authoritative reference and input builder live on the scoring server;
editing this copy changes nothing except your own understanding.
"""

import jax, jax.numpy as jnp
import numpy as np

N_NODES = 10000
N_EDGES = 320000
NFEAT = 128
NHID = 16
HEADS = 8
NCLASS = 40


def gat_conv(x, src, dst, W, att_src, att_dst, bias, heads, out_ch, concat):
    N = x.shape[0]
    h = (x @ W).reshape(N, heads, out_ch)
    a_src = (h * att_src[None, :, :]).sum(-1)  # [N, H]
    a_dst = (h * att_dst[None, :, :]).sum(-1)  # [N, H]
    e = a_src[src] + a_dst[dst]                # [E, H]
    e = jax.nn.leaky_relu(e, negative_slope=0.2)
    m = jax.ops.segment_max(e, dst, num_segments=N)  # [N, H]
    ex = jnp.exp(e - m[dst])
    denom = jax.ops.segment_sum(ex, dst, num_segments=N)
    alpha = ex / (denom[dst] + 1e-16)          # [E, H]
    msg = h[src] * alpha[:, :, None]           # [E, H, C]
    out = jax.ops.segment_sum(msg, dst, num_segments=N)  # [N, H, C]
    if concat:
        out = out.reshape(N, heads * out_ch)
    else:
        out = out.mean(axis=1)
    return out + bias


def setup_inputs(seed: int = 0) -> dict:
    key = jax.random.key(seed)
    ks = jax.random.split(key, 12)
    x = jax.random.normal(ks[0], (N_NODES, NFEAT), dtype=jnp.float32)
    edge_index = jax.random.randint(ks[1], (2, N_EDGES), 0, N_NODES, dtype=jnp.int64 if jax.config.jax_enable_x64 else jnp.int32)
    s1 = 1.0 / np.sqrt(NFEAT)
    W1 = jax.random.uniform(ks[2], (NFEAT, HEADS * NHID), minval=-s1, maxval=s1, dtype=jnp.float32)
    att_src1 = jax.random.uniform(ks[3], (HEADS, NHID), minval=-s1, maxval=s1, dtype=jnp.float32)
    att_dst1 = jax.random.uniform(ks[4], (HEADS, NHID), minval=-s1, maxval=s1, dtype=jnp.float32)
    b1 = jnp.zeros((HEADS * NHID,), dtype=jnp.float32)
    s2 = 1.0 / np.sqrt(HEADS * NHID)
    W2 = jax.random.uniform(ks[5], (HEADS * NHID, NCLASS), minval=-s2, maxval=s2, dtype=jnp.float32)
    att_src2 = jax.random.uniform(ks[6], (1, NCLASS), minval=-s2, maxval=s2, dtype=jnp.float32)
    att_dst2 = jax.random.uniform(ks[7], (1, NCLASS), minval=-s2, maxval=s2, dtype=jnp.float32)
    b2 = jnp.zeros((NCLASS,), dtype=jnp.float32)
    return {"x": x, "edge_index": edge_index, "W1": W1, "att_src1": att_src1,
            "att_dst1": att_dst1, "b1": b1, "W2": W2, "att_src2": att_src2,
            "att_dst2": att_dst2, "b2": b2}


def reference(x, edge_index, W1, att_src1, att_dst1, b1, W2, att_src2, att_dst2, b2):
    # eval mode: dropout is identity
    N = x.shape[0]
    loop = jnp.arange(N, dtype=edge_index.dtype)
    src = jnp.concatenate([edge_index[0], loop])  # add self loops (PyG default)
    dst = jnp.concatenate([edge_index[1], loop])
    h = gat_conv(x, src, dst, W1, att_src1, att_dst1, b1, HEADS, NHID, concat=True)
    h = jax.nn.elu(h)
    out = gat_conv(h, src, dst, W2, att_src2, att_dst2, b2, 1, NCLASS, concat=False)
    return jax.nn.log_softmax(out, axis=1)

if __name__ == "__main__":
    import jax
    _d = setup_inputs()
    print(jax.jit(kernel)(*tuple(_d.values())))

</pallas_src>

<mosaic_0001>
#map = affine_map<(d0, d1) -> (0, 0)>
#map1 = affine_map<(d0, d1) -> (0)>
#map2 = affine_map<(d0, d1) -> (0, 0, 0)>
module attributes {stable_mosaic.version = 14 : i64} {
  func.func @body(%arg0: i32, %arg1: i32, %arg2: memref<10112x144xf32, #tpu.memory_space<hbm>>, %arg3: memref<10112x16xf32, #tpu.memory_space<hbm>>, %arg4: memref<331776xi32, #tpu.memory_space<hbm>>, %arg5: memref<331776xi32, #tpu.memory_space<hbm>>, %arg6: memref<10112x144xf32, #tpu.memory_space<hbm>>, %arg7: memref<2x10112x144xf32, #tpu.memory_space<hbm>>, %arg8: memref<128xi32, #tpu.memory_space<vmem>>, %arg9: memref<128xi32, #tpu.memory_space<vmem>>, %arg10: memref<128x144xf32, #tpu.memory_space<vmem>>, %arg11: memref<128x16xf32, #tpu.memory_space<vmem>>, %arg12: memref<128x144xf32, #tpu.memory_space<vmem>>, %arg13: memref<!tpu.dma_semaphore, #tpu.memory_space<semaphore_mem>>, %arg14: memref<!tpu.dma_semaphore, #tpu.memory_space<semaphore_mem>>, %arg15: memref<10112x144xf32, #tpu.memory_space<vmem_shared>>) attributes {dimension_semantics = [#tpu.dimension_semantics<core_parallel>, #tpu.dimension_semantics<subcore_parallel>], iteration_bounds = array<i64: 2, 16>, scalar_prefetch = 0 : i64, scratch_operands = 8 : i64, tpu.core_type = #tpu.core_type<sc_vector_subcore>, window_params = [{transform_indices = #map}, {transform_indices = #map}, {transform_indices = #map1}, {transform_indices = #map1}, {transform_indices = #map}, {transform_indices = #map2}]} {
    %mul3A = arith.constant 632 : i32
    %mul3A_0 = arith.muli %arg1, %mul3A : i32
    %mul3A_1 = arith.constant 632 : i32
    %mul3A_2 = arith.muli %arg1, %mul3A_1 : i32
    "tpu.region"() ({
      %run_scoped3A = tpu.sem_alloc : memref<!tpu.dma_semaphore, #tpu.memory_space<semaphore_mem>>
      %dma_start3A = arith.constant 0 : i32
      %dma_start3A_16 = tpu.memref_slice %arg15[%mul3A_2, %dma_start3A] : memref<10112x144xf32, #tpu.memory_space<vmem_shared>> -> memref<632x144xf32, #tpu.memory_space<vmem_shared>>
      %dma_start3A_17 = arith.constant 0 : i32
      %dma_start3A_18 = tpu.memref_slice %arg6[%mul3A_0, %dma_start3A_17] : memref<10112x144xf32, #tpu.memory_space<hbm>> -> memref<632x144xf32, #tpu.memory_space<hbm>>
      tpu.enqueue_dma source(%dma_start3A_18 : memref<632x144xf32, #tpu.memory_space<hbm>>) target(%dma_start3A_16 : memref<632x144xf32, #tpu.memory_space<vmem_shared>>) target_semaphore(%run_scoped3A : memref<!tpu.dma_semaphore, #tpu.memory_space<semaphore_mem>>)
      %dma_wait3A = arith.constant 0 : i32
      %dma_wait3A_19 = tpu.memref_slice %arg15[%mul3A_2, %dma_wait3A] : memref<10112x144xf32, #tpu.memory_space<vmem_shared>> -> memref<632x144xf32, #tpu.memory_space<vmem_shared>>
      %dma_wait3A_20 = arith.constant 0 : i32
      %dma_wait3A_21 = tpu.memref_slice %arg6[%mul3A_0, %dma_wait3A_20] : memref<10112x144xf32, #tpu.memory_space<hbm>> -> memref<632x144xf32, #tpu.memory_space<hbm>>
      tpu.wait_dma2 semaphore(%run_scoped3A : memref<!tpu.dma_semaphore, #tpu.memory_space<semaphore_mem>>) src(%dma_wait3A_21 : memref<632x144xf32, #tpu.memory_space<hbm>>) dst(%dma_wait3A_19 : memref<632x144xf32, #tpu.memory_space<vmem_shared>>)
      tpu.yield
    }) : () -> ()
    %barrier3A = arith.constant 0 : index
    tpu.barrier barrier_id(%barrier3A)
    %mul3A_3 = arith.constant 16 : i32
    %mul3A_4 = arith.muli %arg0, %mul3A_3 : i32
    %add3A = arith.addi %mul3A_4, %arg1 : i32
    %mul3A_5 = arith.constant 10368 : i32
    %mul3A_6 = arith.muli %add3A, %mul3A_5 : i32
    %scan3A = arith.constant 0 : i32
    %scan3A_7 = arith.constant 81 : i32
    %scan3A_8 = arith.addi %scan3A, %scan3A_7 : i32
    %scan3A_9 = arith.constant 1 : i32
    scf.for %scan3A_16 = %scan3A to %scan3A_8 step %scan3A_9  : i32 {
      %mul3A_17 = arith.constant 1 : i32
      %mul3A_18 = arith.muli %scan3A_16, %mul3A_17 : i32
      %add3A_19 = arith.constant 0 : i32
      %add3A_20 = arith.addi %add3A_19, %mul3A_18 : i32
      %mul3A_21 = arith.constant 128 : i32
      %mul3A_22 = arith.muli %add3A_20, %mul3A_21 : i32
      %add3A_23 = arith.addi %mul3A_6, %mul3A_22 : i32
      "tpu.region"() ({
        %run_scoped3A = tpu.sem_alloc : memref<!tpu.dma_semaphore, #tpu.memory_space<semaphore_mem>>
        %dma_start3A_39 = tpu.memref_slice %arg4[%add3A_23] : memref<331776xi32, #tpu.memory_space<hbm>> -> memref<128xi32, #tpu.memory_space<hbm>>
        %dma_start3A_40 = tpu.memref_slice %arg4[%add3A_23] : memref<331776xi32, #tpu.memory_space<hbm>> -> memref<128xi32, #tpu.memory_space<hbm>>
        tpu.enqueue_dma source(%dma_start3A_40 : memref<128xi32, #tpu.memory_space<hbm>>) target(%arg8 : memref<128xi32, #tpu.memory_space<vmem>>) target_semaphore(%run_scoped3A : memref<!tpu.dma_semaphore, #tpu.memory_space<semaphore_mem>>)
        %dma_wait3A_41 = tpu.memref_slice %arg4[%add3A_23] : memref<331776xi32, #tpu.memory_space<hbm>> -> memref<128xi32, #tpu.memory_space<hbm>>
        %dma_wait3A_42 = tpu.memref_slice %arg4[%add3A_23] : memref<331776xi32, #tpu.memory_space<hbm>> -> memref<128xi32, #tpu.memory_space<hbm>>
        tpu.wait_dma2 semaphore(%run_scoped3A : memref<!tpu.dma_semaphore, #tpu.memory_space<semaphore_mem>>) src(%dma_wait3A_42 : memref<128xi32, #tpu.memory_space<hbm>>) dst(%arg8 : memref<128xi32, #tpu.memory_space<vmem>>)
        tpu.yield
      }) : () -> ()
      "tpu.region"() ({
        %run_scoped3A = tpu.sem_alloc : memref<!tpu.dma_semaphore, #tpu.memory_space<semaphore_mem>>
        %dma_start3A_39 = tpu.memref_slice %arg5[%add3A_23] : memref<331776xi32, #tpu.memory_space<hbm>> -> memref<128xi32, #tpu.memory_space<hbm>>
        %dma_start3A_40 = tpu.memref_slice %arg5[%add3A_23] : memref<331776xi32, #tpu.memory_space<hbm>> -> memref<128xi32, #tpu.memory_space<hbm>>
        tpu.enqueue_dma source(%dma_start3A_40 : memref<128xi32, #tpu.memory_space<hbm>>) target(%arg9 : memref<128xi32, #tpu.memory_space<vmem>>) target_semaphore(%run_scoped3A : memref<!tpu.dma_semaphore, #tpu.memory_space<semaphore_mem>>)
        %dma_wait3A_41 = tpu.memref_slice %arg5[%add3A_23] : memref<331776xi32, #tpu.memory_space<hbm>> -> memref<128xi32, #tpu.memory_space<hbm>>
        %dma_wait3A_42 = tpu.memref_slice %arg5[%add3A_23] : memref<331776xi32, #tpu.memory_space<hbm>> -> memref<128xi32, #tpu.memory_space<hbm>>
        tpu.wait_dma2 semaphore(%run_scoped3A : memref<!tpu.dma_semaphore, #tpu.memory_space<semaphore_mem>>) src(%dma_wait3A_42 : memref<128xi32, #tpu.memory_space<hbm>>) dst(%arg9 : memref<128xi32, #tpu.memory_space<vmem>>)
        tpu.yield
      }) : () -> ()
      %dma_start3A = arith.constant 0 : i32
      %dma_start3A_24 = arith.constant 0 : i32
      %dma_start3A_25 = tpu.memref_slice %arg2[%dma_start3A, %dma_start3A_24] : memref<10112x144xf32, #tpu.memory_space<hbm>> -> memref<10112x144xf32, #tpu.memory_space<hbm>>
      tpu.enqueue_indirect_dma source(%dma_start3A_25 : memref<10112x144xf32, #tpu.memory_space<hbm>>) target(%arg10 : memref<128x144xf32, #tpu.memory_space<vmem>>) offsets(%arg8 : memref<128xi32, #tpu.memory_space<vmem>>) semaphore(%arg13 : memref<!tpu.dma_semaphore, #tpu.memory_space<semaphore_mem>>)
      %dma_start3A_26 = arith.constant 0 : i32
      %dma_start3A_27 = arith.constant 0 : i32
      %dma_start3A_28 = tpu.memref_slice %arg3[%dma_start3A_26, %dma_start3A_27] : memref<10112x16xf32, #tpu.memory_space<hbm>> -> memref<10112x16xf32, #tpu.memory_space<hbm>>
      tpu.enqueue_indirect_dma source(%dma_start3A_28 : memref<10112x16xf32, #tpu.memory_space<hbm>>) target(%arg11 : memref<128x16xf32, #tpu.memory_space<vmem>>) offsets(%arg9 : memref<128xi32, #tpu.memory_space<vmem>>) semaphore(%arg14 : memref<!tpu.dma_semaphore, #tpu.memory_space<semaphore_mem>>)
      %dma_wait3A = arith.constant 0 : i32
      %dma_wait3A_29 = arith.constant 0 : i32
      %dma_wait3A_30 = tpu.memref_slice %arg2[%dma_wait3A, %dma_wait3A_29] : memref<10112x144xf32, #tpu.memory_space<hbm>> -> memref<10112x144xf32, #tpu.memory_space<hbm>>
      tpu.wait_indirect_dma semaphore(%arg13 : memref<!tpu.dma_semaphore, #tpu.memory_space<semaphore_mem>>) src(%dma_wait3A_30 : memref<10112x144xf32, #tpu.memory_space<hbm>>) dst(%arg10 : memref<128x144xf32, #tpu.memory_space<vmem>>)
      %dma_wait3A_31 = arith.constant 0 : i32
      %dma_wait3A_32 = arith.constant 0 : i32
      %dma_wait3A_33 = tpu.memref_slice %arg3[%dma_wait3A_31, %dma_wait3A_32] : memref<10112x16xf32, #tpu.memory_space<hbm>> -> memref<10112x16xf32, #tpu.memory_space<hbm>>
      tpu.wait_indirect_dma semaphore(%arg14 : memref<!tpu.dma_semaphore, #tpu.memory_space<semaphore_mem>>) src(%dma_wait3A_33 : memref<10112x16xf32, #tpu.memory_space<hbm>>) dst(%arg11 : memref<128x16xf32, #tpu.memory_space<vmem>>)
      %scan3A_34 = arith.constant 0 : i32
      %scan3A_35 = arith.constant 128 : i32
      %scan3A_36 = arith.addi %scan3A_34, %scan3A_35 : i32
      %scan3A_37 = arith.constant 1 : i32
      scf.for %scan3A_39 = %scan3A_34 to %scan3A_36 step %scan3A_37  : i32 {
        %mul3A_40 = arith.constant 1 : i32
        %mul3A_41 = arith.muli %scan3A_39, %mul3A_40 : i32
        %add3A_42 = arith.constant 0 : i32
        %add3A_43 = arith.addi %add3A_42, %mul3A_41 : i32
        %get3A = arith.index_cast %add3A_43 : i32 to index
        %get3A_44 = arith.constant 128 : index
        %get3A_45 = tpu.vector_load %arg10[%get3A, %get3A_44] {strides = array<i32>} : memref<128x144xf32, #tpu.memory_space<vmem>>, vector<1x16xf32>,
        %get3A_46 = vector.shape_cast %get3A_45 : vector<1x16xf32> to vector<16xf32>
        %get3A_47 = arith.index_cast %add3A_43 : i32 to index
        %get3A_48 = arith.constant 0 : index
        %get3A_49 = tpu.vector_load %arg11[%get3A_47, %get3A_48] {strides = array<i32>} : memref<128x16xf32, #tpu.memory_space<vmem>>, vector<1x16xf32>,
        %get3A_50 = vector.shape_cast %get3A_49 : vector<1x16xf32> to vector<16xf32>
        %add3A_51 = arith.addf %get3A_46, %get3A_50 : vector<16xf32>
        %mul3A_52 = arith.constant 2.000000e-01 : f32
        %mul3A_53 = vector.broadcast %mul3A_52 : f32 to vector<16xf32>
        %mul3A_54 = arith.mulf %mul3A_53, %add3A_51 : vector<16xf32>
        %max3A = arith.maximumf %add3A_51, %mul3A_54 : vector<16xf32>
        %exp3A = math.exp %max3A : vector<16xf32>
        %swap3A = arith.index_cast %add3A_43 : i32 to index
        %swap3A_55 = arith.constant 128 : index
        %swap3A_56 = tpu.vector_load %arg12[%swap3A, %swap3A_55] {strides = array<i32>} : memref<128x144xf32, #tpu.memory_space<vmem>>, vector<1x16xf32>,
        %swap3A_57 = vector.shape_cast %swap3A_56 : vector<1x16xf32> to vector<16xf32>
        %swap3A_58 = vector.shape_cast %exp3A : vector<16xf32> to vector<1x16xf32>
        tpu.vector_store %arg12[%swap3A, %swap3A_55], %swap3A_58 {strides = array<i32>} : memref<128x144xf32, #tpu.memory_space<vmem>>, vector<1x16xf32>,
        %slice3A = vector.extract_strided_slice %exp3A {offsets = [0], sizes = [1], strides = [1]} : vector<16xf32> to vector<1xf32>
        %squeeze3A = vector.extract %slice3A[0] : f32 from vector<1xf32>
        %get3A_59 = arith.index_cast %add3A_43 : i32 to index
        %get3A_60 = arith.constant 0 : index
        %get3A_61 = tpu.vector_load %arg10[%get3A_59, %get3A_60] {strides = array<i32>} : memref<128x144xf32, #tpu.memory_space<vmem>>, vector<1x16xf32>,
        %get3A_62 = vector.shape_cast %get3A_61 : vector<1x16xf32> to vector<16xf32>
        %mul3A_63 = vector.broadcast %squeeze3A : f32 to vector<16xf32>
        %mul3A_64 = arith.mulf %get3A_62, %mul3A_63 : vector<16xf32>
        %swap3A_65 = arith.index_cast %add3A_43 : i32 to index
        %swap3A_66 = arith.constant 0 : index
        %swap3A_67 = tpu.vector_load %arg12[%swap3A_65, %swap3A_66] {strides = array<i32>} : memref<128x144xf32, #tpu.memory_space<vmem>>, vector<1x16xf32>,
        %swap3A_68 = vector.shape_cast %swap3A_67 : vector<1x16xf32> to vector<16xf32>
        %swap3A_69 = vector.shape_cast %mul3A_64 : vector<16xf32> to vector<1x16xf32>
        tpu.vector_store %arg12[%swap3A_65, %swap3A_66], %swap3A_69 {strides = array<i32>} : memref<128x144xf32, #tpu.memory_space<vmem>>, vector<1x16xf32>,
        %slice3A_70 = vector.extract_strided_slice %exp3A {offsets = [1], sizes = [1], strides = [1]} : vector<16xf32> to vector<1xf32>
        %squeeze3A_71 = vector.extract %slice3A_70[0] : f32 from vector<1xf32>
        %get3A_72 = arith.index_cast %add3A_43 : i32 to index
        %get3A_73 = arith.constant 16 : index
        %get3A_74 = tpu.vector_load %arg10[%get3A_72, %get3A_73] {strides = array<i32>} : memref<128x144xf32, #tpu.memory_space<vmem>>, vector<1x16xf32>,
        %get3A_75 = vector.shape_cast %get3A_74 : vector<1x16xf32> to vector<16xf32>
        %mul3A_76 = vector.broadcast %squeeze3A_71 : f32 to vector<16xf32>
        %mul3A_77 = arith.mulf %get3A_75, %mul3A_76 : vector<16xf32>
        %swap3A_78 = arith.index_cast %add3A_43 : i32 to index
        %swap3A_79 = arith.constant 16 : index
        %swap3A_80 = tpu.vector_load %arg12[%swap3A_78, %swap3A_79] {strides = array<i32>} : memref<128x144xf32, #tpu.memory_space<vmem>>, vector<1x16xf32>,
        %swap3A_81 = vector.shape_cast %swap3A_80 : vector<1x16xf32> to vector<16xf32>
        %swap3A_82 = vector.shape_cast %mul3A_77 : vector<16xf32> to vector<1x16xf32>
        tpu.vector_store %arg12[%swap3A_78, %swap3A_79], %swap3A_82 {strides = array<i32>} : memref<128x144xf32, #tpu.memory_space<vmem>>, vector<1x16xf32>,
        %slice3A_83 = vector.extract_strided_slice %exp3A {offsets = [2], sizes = [1], strides = [1]} : vector<16xf32> to vector<1xf32>
        %squeeze3A_84 = vector.extract %slice3A_83[0] : f32 from vector<1xf32>
        %get3A_85 = arith.index_cast %add3A_43 : i32 to index
        %get3A_86 = arith.constant 32 : index
        %get3A_87 = tpu.vector_load %arg10[%get3A_85, %get3A_86] {strides = array<i32>} : memref<128x144xf32, #tpu.memory_space<vmem>>, vector<1x16xf32>,
        %get3A_88 = vector.shape_cast %get3A_87 : vector<1x16xf32> to vector<16xf32>
        %mul3A_89 = vector.broadcast %squeeze3A_84 : f32 to vector<16xf32>
        %mul3A_90 = arith.mulf %get3A_88, %mul3A_89 : vector<16xf32>
        %swap3A_91 = arith.index_cast %add3A_43 : i32 to index
        %swap3A_92 = arith.constant 32 : index
        %swap3A_93 = tpu.vector_load %arg12[%swap3A_91, %swap3A_92] {strides = array<i32>} : memref<128x144xf32, #tpu.memory_space<vmem>>, vector<1x16xf32>,
        %swap3A_94 = vector.shape_cast %swap3A_93 : vector<1x16xf32> to vector<16xf32>
        %swap3A_95 = vector.shape_cast %mul3A_90 : vector<16xf32> to vector<1x16xf32>
        tpu.vector_store %arg12[%swap3A_91, %swap3A_92], %swap3A_95 {strides = array<i32>} : memref<128x144xf32, #tpu.memory_space<vmem>>, vector<1x16xf32>,
        %slice3A_96 = vector.extract_strided_slice %exp3A {offsets = [3], sizes = [1], strides = [1]} : vector<16xf32> to vector<1xf32>
        %squeeze3A_97 = vector.extract %slice3A_96[0] : f32 from vector<1xf32>
        %get3A_98 = arith.index_cast %add3A_43 : i32 to index
        %get3A_99 = arith.constant 48 : index
        %get3A_100 = tpu.vector_load %arg10[%get3A_98, %get3A_99] {strides = array<i32>} : memref<128x144xf32, #tpu.memory_space<vmem>>, vector<1x16xf32>,
        %get3A_101 = vector.shape_cast %get3A_100 : vector<1x16xf32> to vector<16xf32>
        %mul3A_102 = vector.broadcast %squeeze3A_97 : f32 to vector<16xf32>
        %mul3A_103 = arith.mulf %get3A_101, %mul3A_102 : vector<16xf32>
        %swap3A_104 = arith.index_cast %add3A_43 : i32 to index
        %swap3A_105 = arith.constant 48 : index
        %swap3A_106 = tpu.vector_load %arg12[%swap3A_104, %swap3A_105] {strides = array<i32>} : memref<128x144xf32, #tpu.memory_space<vmem>>, vector<1x16xf32>,
        %swap3A_107 = vector.shape_cast %swap3A_106 : vector<1x16xf32> to vector<16xf32>
        %swap3A_108 = vector.shape_cast %mul3A_103 : vector<16xf32> to vector<1x16xf32>
        tpu.vector_store %arg12[%swap3A_104, %swap3A_105], %swap3A_108 {strides = array<i32>} : memref<128x144xf32, #tpu.memory_space<vmem>>, vector<1x16xf32>,
        %slice3A_109 = vector.extract_strided_slice %exp3A {offsets = [4], sizes = [1], strides = [1]} : vector<16xf32> to vector<1xf32>
        %squeeze3A_110 = vector.extract %slice3A_109[0] : f32 from vector<1xf32>
        %get3A_111 = arith.index_cast %add3A_43 : i32 to index
        %get3A_112 = arith.constant 64 : index
        %get3A_113 = tpu.vector_load %arg10[%get3A_111, %get3A_112] {strides = array<i32>} : memref<128x144xf32, #tpu.memory_space<vmem>>, vector<1x16xf32>,
        %get3A_114 = vector.shape_cast %get3A_113 : vector<1x16xf32> to vector<16xf32>
        %mul3A_115 = vector.broadcast %squeeze3A_110 : f32 to vector<16xf32>
        %mul3A_116 = arith.mulf %get3A_114, %mul3A_115 : vector<16xf32>
        %swap3A_117 = arith.index_cast %add3A_43 : i32 to index
        %swap3A_118 = arith.constant 64 : index
        %swap3A_119 = tpu.vector_load %arg12[%swap3A_117, %swap3A_118] {strides = array<i32>} : memref<128x144xf32, #tpu.memory_space<vmem>>, vector<1x16xf32>,
        %swap3A_120 = vector.shape_cast %swap3A_119 : vector<1x16xf32> to vector<16xf32>
        %swap3A_121 = vector.shape_cast %mul3A_116 : vector<16xf32> to vector<1x16xf32>
        tpu.vector_store %arg12[%swap3A_117, %swap3A_118], %swap3A_121 {strides = array<i32>} : memref<128x144xf32, #tpu.memory_space<vmem>>, vector<1x16xf32>,
        %slice3A_122 = vector.extract_strided_slice %exp3A {offsets = [5], sizes = [1], strides = [1]} : vector<16xf32> to vector<1xf32>
        %squeeze3A_123 = vector.extract %slice3A_122[0] : f32 from vector<1xf32>
        %get3A_124 = arith.index_cast %add3A_43 : i32 to index
        %get3A_125 = arith.constant 80 : index
        %get3A_126 = tpu.vector_load %arg10[%get3A_124, %get3A_125] {strides = array<i32>} : memref<128x144xf32, #tpu.memory_space<vmem>>, vector<1x16xf32>,
        %get3A_127 = vector.shape_cast %get3A_126 : vector<1x16xf32> to vector<16xf32>
        %mul3A_128 = vector.broadcast %squeeze3A_123 : f32 to vector<16xf32>
        %mul3A_129 = arith.mulf %get3A_127, %mul3A_128 : vector<16xf32>
        %swap3A_130 = arith.index_cast %add3A_43 : i32 to index
        %swap3A_131 = arith.constant 80 : index
        %swap3A_132 = tpu.vector_load %arg12[%swap3A_130, %swap3A_131] {strides = array<i32>} : memref<128x144xf32, #tpu.memory_space<vmem>>, vector<1x16xf32>,
        %swap3A_133 = vector.shape_cast %swap3A_132 : vector<1x16xf32> to vector<16xf32>
        %swap3A_134 = vector.shape_cast %mul3A_129 : vector<16xf32> to vector<1x16xf32>
        tpu.vector_store %arg12[%swap3A_130, %swap3A_131], %swap3A_134 {strides = array<i32>} : memref<128x144xf32, #tpu.memory_space<vmem>>, vector<1x16xf32>,
        %slice3A_135 = vector.extract_strided_slice %exp3A {offsets = [6], sizes = [1], strides = [1]} : vector<16xf32> to vector<1xf32>
        %squeeze3A_136 = vector.extract %slice3A_135[0] : f32 from vector<1xf32>
        %get3A_137 = arith.index_cast %add3A_43 : i32 to index
        %get3A_138 = arith.constant 96 : index
        %get3A_139 = tpu.vector_load %arg10[%get3A_137, %get3A_138] {strides = array<i32>} : memref<128x144xf32, #tpu.memory_space<vmem>>, vector<1x16xf32>,
        %get3A_140 = vector.shape_cast %get3A_139 : vector<1x16xf32> to vector<16xf32>
        %mul3A_141 = vector.broadcast %squeeze3A_136 : f32 to vector<16xf32>
        %mul3A_142 = arith.mulf %get3A_140, %mul3A_141 : vector<16xf32>
        %swap3A_143 = arith.index_cast %add3A_43 : i32 to index
        %swap3A_144 = arith.constant 96 : index
        %swap3A_145 = tpu.vector_load %arg12[%swap3A_143, %swap3A_144] {strides = array<i32>} : memref<128x144xf32, #tpu.memory_space<vmem>>, vector<1x16xf32>,
        %swap3A_146 = vector.shape_cast %swap3A_145 : vector<1x16xf32> to vector<16xf32>
        %swap3A_147 = vector.shape_cast %mul3A_142 : vector<16xf32> to vector<1x16xf32>
        tpu.vector_store %arg12[%swap3A_143, %swap3A_144], %swap3A_147 {strides = array<i32>} : memref<128x144xf32, #tpu.memory_space<vmem>>, vector<1x16xf32>,
        %slice3A_148 = vector.extract_strided_slice %exp3A {offsets = [7], sizes = [1], strides = [1]} : vector<16xf32> to vector<1xf32>
        %squeeze3A_149 = vector.extract %slice3A_148[0] : f32 from vector<1xf32>
        %get3A_150 = arith.index_cast %add3A_43 : i32 to index
        %get3A_151 = arith.constant 112 : index
        %get3A_152 = tpu.vector_load %arg10[%get3A_150, %get3A_151] {strides = array<i32>} : memref<128x144xf32, #tpu.memory_space<vmem>>, vector<1x16xf32>,
        %get3A_153 = vector.shape_cast %get3A_152 : vector<1x16xf32> to vector<16xf32>
        %mul3A_154 = vector.broadcast %squeeze3A_149 : f32 to vector<16xf32>
        %mul3A_155 = arith.mulf %get3A_153, %mul3A_154 : vector<16xf32>
        %swap3A_156 = arith.index_cast %add3A_43 : i32 to index
        %swap3A_157 = arith.constant 112 : index
        %swap3A_158 = tpu.vector_load %arg12[%swap3A_156, %swap3A_157] {strides = array<i32>} : memref<128x144xf32, #tpu.memory_space<vmem>>, vector<1x16xf32>,
        %swap3A_159 = vector.shape_cast %swap3A_158 : vector<1x16xf32> to vector<16xf32>
        %swap3A_160 = vector.shape_cast %mul3A_155 : vector<16xf32> to vector<1x16xf32>
        tpu.vector_store %arg12[%swap3A_156, %swap3A_157], %swap3A_160 {strides = array<i32>} : memref<128x144xf32, #tpu.memory_space<vmem>>, vector<1x16xf32>,
      }
      %scan3A_38 = arith.constant 128 : i32
      "tpu.region"() ({
        %run_scoped3A = tpu.sem_alloc : memref<!tpu.dma_semaphore, #tpu.memory_space<semaphore_mem>>
        %dma_start3A_39 = arith.constant 0 : i32
        %dma_start3A_40 = arith.constant 0 : i32
        %dma_start3A_41 = tpu.memref_slice %arg15[%dma_start3A_39, %dma_start3A_40] : memref<10112x144xf32, #tpu.memory_space<vmem_shared>> -> memref<10112x144xf32, #tpu.memory_space<vmem_shared>>
        tpu.enqueue_indirect_dma source(%arg12 : memref<128x144xf32, #tpu.memory_space<vmem>>) target(%dma_start3A_41 : memref<10112x144xf32, #tpu.memory_space<vmem_shared>>) offsets(%arg9 : memref<128xi32, #tpu.memory_space<vmem>>) semaphore(%run_scoped3A : memref<!tpu.dma_semaphore, #tpu.memory_space<semaphore_mem>>) {add = true}
        %dma_wait3A_42 = arith.constant 0 : i32
        %dma_wait3A_43 = arith.constant 0 : i32
        %dma_wait3A_44 = tpu.memref_slice %arg15[%dma_wait3A_42, %dma_wait3A_43] : memref<10112x144xf32, #tpu.memory_space<vmem_shared>> -> memref<10112x144xf32, #tpu.memory_space<vmem_shared>>
        tpu.wait_indirect_dma semaphore(%run_scoped3A : memref<!tpu.dma_semaphore, #tpu.memory_space<semaphore_mem>>) src(%arg12 : memref<128x144xf32, #tpu.memory_space<vmem>>) dst(%dma_wait3A_44 : memref<10112x144xf32, #tpu.memory_space<vmem_shared>>)
        tpu.yield
      }) : () -> ()
    }
    %scan3A_10 = arith.constant 81 : i32
    %barrier3A_11 = arith.constant 0 : index
    tpu.barrier barrier_id(%barrier3A_11)
    %mul3A_12 = arith.constant 632 : i32
    %mul3A_13 = arith.muli %arg1, %mul3A_12 : i32
    %mul3A_14 = arith.constant 632 : i32
    %mul3A_15 = arith.muli %arg1, %mul3A_14 : i32
    "tpu.region"() ({
      %run_scoped3A = tpu.sem_alloc : memref<!tpu.dma_semaphore, #tpu.memory_space<semaphore_mem>>
      %dma_start3A = arith.constant 0 : i32
      %dma_start3A_16 = tpu.memref_slice %arg7[%arg0, %mul3A_15, %dma_start3A] : memref<2x10112x144xf32, #tpu.memory_space<hbm>> -> memref<1x632x144xf32, #tpu.memory_space<hbm>>
      %dma_start3A_17 = tpu.memref_squeeze %dma_start3A_16 : memref<1x632x144xf32, #tpu.memory_space<hbm>> -> memref<632x144xf32, #tpu.memory_space<hbm>>
      %dma_start3A_18 = arith.constant 0 : i32
      %dma_start3A_19 = tpu.memref_slice %arg15[%mul3A_13, %dma_start3A_18] : memref<10112x144xf32, #tpu.memory_space<vmem_shared>> -> memref<632x144xf32, #tpu.memory_space<vmem_shared>>
      tpu.enqueue_dma source(%dma_start3A_19 : memref<632x144xf32, #tpu.memory_space<vmem_shared>>) target(%dma_start3A_17 : memref<632x144xf32, #tpu.memory_space<hbm>>) target_semaphore(%run_scoped3A : memref<!tpu.dma_semaphore, #tpu.memory_space<semaphore_mem>>)
      %dma_wait3A = arith.constant 0 : i32
      %dma_wait3A_20 = tpu.memref_slice %arg7[%arg0, %mul3A_15, %dma_wait3A] : memref<2x10112x144xf32, #tpu.memory_space<hbm>> -> memref<1x632x144xf32, #tpu.memory_space<hbm>>
      %dma_wait3A_21 = tpu.memref_squeeze %dma_wait3A_20 : memref<1x632x144xf32, #tpu.memory_space<hbm>> -> memref<632x144xf32, #tpu.memory_space<hbm>>
      %dma_wait3A_22 = arith.constant 0 : i32
      %dma_wait3A_23 = tpu.memref_slice %arg15[%mul3A_13, %dma_wait3A_22] : memref<10112x144xf32, #tpu.memory_space<vmem_shared>> -> memref<632x144xf32, #tpu.memory_space<vmem_shared>>
      tpu.wait_dma2 semaphore(%run_scoped3A : memref<!tpu.dma_semaphore, #tpu.memory_space<semaphore_mem>>) src(%dma_wait3A_23 : memref<632x144xf32, #tpu.memory_space<vmem_shared>>) dst(%dma_wait3A_21 : memref<632x144xf32, #tpu.memory_space<hbm>>)
      tpu.yield
    }) : () -> ()
    return
  }
}

#map = affine_map<(d0, d1) -> (0, 0)>
#map1 = affine_map<(d0, d1) -> (0)>
#map2 = affine_map<(d0, d1) -> (0, 0, 0)>
module attributes {stable_mosaic.version = 14 : i64} {
  func.func @body(%arg0: i32, %arg1: i32, %arg2: memref<10112x48xf32, #tpu.memory_space<hbm>>, %arg3: memref<10112x16xf32, #tpu.memory_space<hbm>>, %arg4: memref<331776xi32, #tpu.memory_space<hbm>>, %arg5: memref<331776xi32, #tpu.memory_space<hbm>>, %arg6: memref<10112x48xf32, #tpu.memory_space<hbm>>, %arg7: memref<2x10112x48xf32, #tpu.memory_space<hbm>>, %arg8: memref<128xi32, #tpu.memory_space<vmem>>, %arg9: memref<128xi32, #tpu.memory_space<vmem>>, %arg10: memref<128x48xf32, #tpu.memory_space<vmem>>, %arg11: memref<128x16xf32, #tpu.memory_space<vmem>>, %arg12: memref<128x48xf32, #tpu.memory_space<vmem>>, %arg13: memref<!tpu.dma_semaphore, #tpu.memory_space<semaphore_mem>>, %arg14: memref<!tpu.dma_semaphore, #tpu.memory_space<semaphore_mem>>, %arg15: memref<10112x48xf32, #tpu.memory_space<vmem_shared>>) attributes {dimension_semantics = [#tpu.dimension_semantics<core_parallel>, #tpu.dimension_semantics<subcore_parallel>], iteration_bounds = array<i64: 2, 16>, scalar_prefetch = 0 : i64, scratch_operands = 8 : i64, tpu.core_type = #tpu.core_type<sc_vector_subcore>, window_params = [{transform_indices = #map}, {transform_indices = #map}, {transform_indices = #map1}, {transform_indices = #map1}, {transform_indices = #map}, {transform_indices = #map2}]} {
    %mul3A = arith.constant 632 : i32
    %mul3A_0 = arith.muli %arg1, %mul3A : i32
    %mul3A_1 = arith.constant 632 : i32
    %mul3A_2 = arith.muli %arg1, %mul3A_1 : i32
    "tpu.region"() ({
      %run_scoped3A = tpu.sem_alloc : memref<!tpu.dma_semaphore, #tpu.memory_space<semaphore_mem>>
      %dma_start3A = arith.constant 0 : i32
      %dma_start3A_16 = tpu.memref_slice %arg15[%mul3A_2, %dma_start3A] : memref<10112x48xf32, #tpu.memory_space<vmem_shared>> -> memref<632x48xf32, #tpu.memory_space<vmem_shared>>
      %dma_start3A_17 = arith.constant 0 : i32
      %dma_start3A_18 = tpu.memref_slice %arg6[%mul3A_0, %dma_start3A_17] : memref<10112x48xf32, #tpu.memory_space<hbm>> -> memref<632x48xf32, #tpu.memory_space<hbm>>
      tpu.enqueue_dma source(%dma_start3A_18 : memref<632x48xf32, #tpu.memory_space<hbm>>) target(%dma_start3A_16 : memref<632x48xf32, #tpu.memory_space<vmem_shared>>) target_semaphore(%run_scoped3A : memref<!tpu.dma_semaphore, #tpu.memory_space<semaphore_mem>>)
      %dma_wait3A = arith.constant 0 : i32
      %dma_wait3A_19 = tpu.memref_slice %arg15[%mul3A_2, %dma_wait3A] : memref<10112x48xf32, #tpu.memory_space<vmem_shared>> -> memref<632x48xf32, #tpu.memory_space<vmem_shared>>
      %dma_wait3A_20 = arith.constant 0 : i32
      %dma_wait3A_21 = tpu.memref_slice %arg6[%mul3A_0, %dma_wait3A_20] : memref<10112x48xf32, #tpu.memory_space<hbm>> -> memref<632x48xf32, #tpu.memory_space<hbm>>
      tpu.wait_dma2 semaphore(%run_scoped3A : memref<!tpu.dma_semaphore, #tpu.memory_space<semaphore_mem>>) src(%dma_wait3A_21 : memref<632x48xf32, #tpu.memory_space<hbm>>) dst(%dma_wait3A_19 : memref<632x48xf32, #tpu.memory_space<vmem_shared>>)
      tpu.yield
    }) : () -> ()
    %barrier3A = arith.constant 0 : index
    tpu.barrier barrier_id(%barrier3A)
    %mul3A_3 = arith.constant 16 : i32
    %mul3A_4 = arith.muli %arg0, %mul3A_3 : i32
    %add3A = arith.addi %mul3A_4, %arg1 : i32
    %mul3A_5 = arith.constant 10368 : i32
    %mul3A_6 = arith.muli %add3A, %mul3A_5 : i32
    %scan3A = arith.constant 0 : i32
    %scan3A_7 = arith.constant 81 : i32
    %scan3A_8 = arith.addi %scan3A, %scan3A_7 : i32
    %scan3A_9 = arith.constant 1 : i32
    scf.for %scan3A_16 = %scan3A to %scan3A_8 step %scan3A_9  : i32 {
      %mul3A_17 = arith.constant 1 : i32
      %mul3A_18 = arith.muli %scan3A_16, %mul3A_17 : i32
      %add3A_19 = arith.constant 0 : i32
      %add3A_20 = arith.addi %add3A_19, %mul3A_18 : i32
      %mul3A_21 = arith.constant 128 : i32
      %mul3A_22 = arith.muli %add3A_20, %mul3A_21 : i32
      %add3A_23 = arith.addi %mul3A_6, %mul3A_22 : i32
      "tpu.region"() ({
        %run_scoped3A = tpu.sem_alloc : memref<!tpu.dma_semaphore, #tpu.memory_space<semaphore_mem>>
        %dma_start3A_39 = tpu.memref_slice %arg4[%add3A_23] : memref<331776xi32, #tpu.memory_space<hbm>> -> memref<128xi32, #tpu.memory_space<hbm>>
        %dma_start3A_40 = tpu.memref_slice %arg4[%add3A_23] : memref<331776xi32, #tpu.memory_space<hbm>> -> memref<128xi32, #tpu.memory_space<hbm>>
        tpu.enqueue_dma source(%dma_start3A_40 : memref<128xi32, #tpu.memory_space<hbm>>) target(%arg8 : memref<128xi32, #tpu.memory_space<vmem>>) target_semaphore(%run_scoped3A : memref<!tpu.dma_semaphore, #tpu.memory_space<semaphore_mem>>)
        %dma_wait3A_41 = tpu.memref_slice %arg4[%add3A_23] : memref<331776xi32, #tpu.memory_space<hbm>> -> memref<128xi32, #tpu.memory_space<hbm>>
        %dma_wait3A_42 = tpu.memref_slice %arg4[%add3A_23] : memref<331776xi32, #tpu.memory_space<hbm>> -> memref<128xi32, #tpu.memory_space<hbm>>
        tpu.wait_dma2 semaphore(%run_scoped3A : memref<!tpu.dma_semaphore, #tpu.memory_space<semaphore_mem>>) src(%dma_wait3A_42 : memref<128xi32, #tpu.memory_space<hbm>>) dst(%arg8 : memref<128xi32, #tpu.memory_space<vmem>>)
        tpu.yield
      }) : () -> ()
      "tpu.region"() ({
        %run_scoped3A = tpu.sem_alloc : memref<!tpu.dma_semaphore, #tpu.memory_space<semaphore_mem>>
        %dma_start3A_39 = tpu.memref_slice %arg5[%add3A_23] : memref<331776xi32, #tpu.memory_space<hbm>> -> memref<128xi32, #tpu.memory_space<hbm>>
        %dma_start3A_40 = tpu.memref_slice %arg5[%add3A_23] : memref<331776xi32, #tpu.memory_space<hbm>> -> memref<128xi32, #tpu.memory_space<hbm>>
        tpu.enqueue_dma source(%dma_start3A_40 : memref<128xi32, #tpu.memory_space<hbm>>) target(%arg9 : memref<128xi32, #tpu.memory_space<vmem>>) target_semaphore(%run_scoped3A : memref<!tpu.dma_semaphore, #tpu.memory_space<semaphore_mem>>)
        %dma_wait3A_41 = tpu.memref_slice %arg5[%add3A_23] : memref<331776xi32, #tpu.memory_space<hbm>> -> memref<128xi32, #tpu.memory_space<hbm>>
        %dma_wait3A_42 = tpu.memref_slice %arg5[%add3A_23] : memref<331776xi32, #tpu.memory_space<hbm>> -> memref<128xi32, #tpu.memory_space<hbm>>
        tpu.wait_dma2 semaphore(%run_scoped3A : memref<!tpu.dma_semaphore, #tpu.memory_space<semaphore_mem>>) src(%dma_wait3A_42 : memref<128xi32, #tpu.memory_space<hbm>>) dst(%arg9 : memref<128xi32, #tpu.memory_space<vmem>>)
        tpu.yield
      }) : () -> ()
      %dma_start3A = arith.constant 0 : i32
      %dma_start3A_24 = arith.constant 0 : i32
      %dma_start3A_25 = tpu.memref_slice %arg2[%dma_start3A, %dma_start3A_24] : memref<10112x48xf32, #tpu.memory_space<hbm>> -> memref<10112x48xf32, #tpu.memory_space<hbm>>
      tpu.enqueue_indirect_dma source(%dma_start3A_25 : memref<10112x48xf32, #tpu.memory_space<hbm>>) target(%arg10 : memref<128x48xf32, #tpu.memory_space<vmem>>) offsets(%arg8 : memref<128xi32, #tpu.memory_space<vmem>>) semaphore(%arg13 : memref<!tpu.dma_semaphore, #tpu.memory_space<semaphore_mem>>)
      %dma_start3A_26 = arith.constant 0 : i32
      %dma_start3A_27 = arith.constant 0 : i32
      %dma_start3A_28 = tpu.memref_slice %arg3[%dma_start3A_26, %dma_start3A_27] : memref<10112x16xf32, #tpu.memory_space<hbm>> -> memref<10112x16xf32, #tpu.memory_space<hbm>>
      tpu.enqueue_indirect_dma source(%dma_start3A_28 : memref<10112x16xf32, #tpu.memory_space<hbm>>) target(%arg11 : memref<128x16xf32, #tpu.memory_space<vmem>>) offsets(%arg9 : memref<128xi32, #tpu.memory_space<vmem>>) semaphore(%arg14 : memref<!tpu.dma_semaphore, #tpu.memory_space<semaphore_mem>>)
      %dma_wait3A = arith.constant 0 : i32
      %dma_wait3A_29 = arith.constant 0 : i32
      %dma_wait3A_30 = tpu.memref_slice %arg2[%dma_wait3A, %dma_wait3A_29] : memref<10112x48xf32, #tpu.memory_space<hbm>> -> memref<10112x48xf32, #tpu.memory_space<hbm>>
      tpu.wait_indirect_dma semaphore(%arg13 : memref<!tpu.dma_semaphore, #tpu.memory_space<semaphore_mem>>) src(%dma_wait3A_30 : memref<10112x48xf32, #tpu.memory_space<hbm>>) dst(%arg10 : memref<128x48xf32, #tpu.memory_space<vmem>>)
      %dma_wait3A_31 = arith.constant 0 : i32
      %dma_wait3A_32 = arith.constant 0 : i32
      %dma_wait3A_33 = tpu.memref_slice %arg3[%dma_wait3A_31, %dma_wait3A_32] : memref<10112x16xf32, #tpu.memory_space<hbm>> -> memref<10112x16xf32, #tpu.memory_space<hbm>>
      tpu.wait_indirect_dma semaphore(%arg14 : memref<!tpu.dma_semaphore, #tpu.memory_space<semaphore_mem>>) src(%dma_wait3A_33 : memref<10112x16xf32, #tpu.memory_space<hbm>>) dst(%arg11 : memref<128x16xf32, #tpu.memory_space<vmem>>)
      %scan3A_34 = arith.constant 0 : i32
      %scan3A_35 = arith.constant 128 : i32
      %scan3A_36 = arith.addi %scan3A_34, %scan3A_35 : i32
      %scan3A_37 = arith.constant 1 : i32
      scf.for %scan3A_39 = %scan3A_34 to %scan3A_36 step %scan3A_37  : i32 {
        %mul3A_40 = arith.constant 1 : i32
        %mul3A_41 = arith.muli %scan3A_39, %mul3A_40 : i32
        %add3A_42 = arith.constant 0 : i32
        %add3A_43 = arith.addi %add3A_42, %mul3A_41 : i32
        %get3A = arith.index_cast %add3A_43 : i32 to index
        %get3A_44 = arith.constant 32 : index
        %get3A_45 = tpu.vector_load %arg10[%get3A, %get3A_44] {strides = array<i32>} : memref<128x48xf32, #tpu.memory_space<vmem>>, vector<1x16xf32>,
        %get3A_46 = vector.shape_cast %get3A_45 : vector<1x16xf32> to vector<16xf32>
        %get3A_47 = arith.index_cast %add3A_43 : i32 to index
        %get3A_48 = arith.constant 0 : index
        %get3A_49 = tpu.vector_load %arg11[%get3A_47, %get3A_48] {strides = array<i32>} : memref<128x16xf32, #tpu.memory_space<vmem>>, vector<1x16xf32>,
        %get3A_50 = vector.shape_cast %get3A_49 : vector<1x16xf32> to vector<16xf32>
        %add3A_51 = arith.addf %get3A_46, %get3A_50 : vector<16xf32>
        %mul3A_52 = arith.constant 2.000000e-01 : f32
        %mul3A_53 = vector.broadcast %mul3A_52 : f32 to vector<16xf32>
        %mul3A_54 = arith.mulf %mul3A_53, %add3A_51 : vector<16xf32>
        %max3A = arith.maximumf %add3A_51, %mul3A_54 : vector<16xf32>
        %exp3A = math.exp %max3A : vector<16xf32>
        %slice3A = vector.extract_strided_slice %exp3A {offsets = [8], sizes = [1], strides = [1]} : vector<16xf32> to vector<1xf32>
        %squeeze3A = vector.extract %slice3A[0] : f32 from vector<1xf32>
        %get3A_55 = arith.index_cast %add3A_43 : i32 to index
        %get3A_56 = arith.constant 0 : index
        %get3A_57 = tpu.vector_load %arg10[%get3A_55, %get3A_56] {strides = array<i32>} : memref<128x48xf32, #tpu.memory_space<vmem>>, vector<1x16xf32>,
        %get3A_58 = vector.shape_cast %get3A_57 : vector<1x16xf32> to vector<16xf32>
        %mul3A_59 = vector.broadcast %squeeze3A : f32 to vector<16xf32>
        %mul3A_60 = arith.mulf %get3A_58, %mul3A_59 : vector<16xf32>
        %swap3A = arith.index_cast %add3A_43 : i32 to index
        %swap3A_61 = arith.constant 0 : index
        %swap3A_62 = tpu.vector_load %arg12[%swap3A, %swap3A_61] {strides = array<i32>} : memref<128x48xf32, #tpu.memory_space<vmem>>, vector<1x16xf32>,
        %swap3A_63 = vector.shape_cast %swap3A_62 : vector<1x16xf32> to vector<16xf32>
        %swap3A_64 = vector.shape_cast %mul3A_60 : vector<16xf32> to vector<1x16xf32>
        tpu.vector_store %arg12[%swap3A, %swap3A_61], %swap3A_64 {strides = array<i32>} : memref<128x48xf32, #tpu.memory_space<vmem>>, vector<1x16xf32>,
        %slice3A_65 = vector.extract_strided_slice %exp3A {offsets = [8], sizes = [1], strides = [1]} : vector<16xf32> to vector<1xf32>
        %squeeze3A_66 = vector.extract %slice3A_65[0] : f32 from vector<1xf32>
        %get3A_67 = arith.index_cast %add3A_43 : i32 to index
        %get3A_68 = arith.constant 16 : index
        %get3A_69 = tpu.vector_load %arg10[%get3A_67, %get3A_68] {strides = array<i32>} : memref<128x48xf32, #tpu.memory_space<vmem>>, vector<1x16xf32>,
        %get3A_70 = vector.shape_cast %get3A_69 : vector<1x16xf32> to vector<16xf32>
        %mul3A_71 = vector.broadcast %squeeze3A_66 : f32 to vector<16xf32>
        %mul3A_72 = arith.mulf %get3A_70, %mul3A_71 : vector<16xf32>
        %swap3A_73 = arith.index_cast %add3A_43 : i32 to index
        %swap3A_74 = arith.constant 16 : index
        %swap3A_75 = tpu.vector_load %arg12[%swap3A_73, %swap3A_74] {strides = array<i32>} : memref<128x48xf32, #tpu.memory_space<vmem>>, vector<1x16xf32>,
        %swap3A_76 = vector.shape_cast %swap3A_75 : vector<1x16xf32> to vector<16xf32>
        %swap3A_77 = vector.shape_cast %mul3A_72 : vector<16xf32> to vector<1x16xf32>
        tpu.vector_store %arg12[%swap3A_73, %swap3A_74], %swap3A_77 {strides = array<i32>} : memref<128x48xf32, #tpu.memory_space<vmem>>, vector<1x16xf32>,
        %slice3A_78 = vector.extract_strided_slice %exp3A {offsets = [8], sizes = [1], strides = [1]} : vector<16xf32> to vector<1xf32>
        %squeeze3A_79 = vector.extract %slice3A_78[0] : f32 from vector<1xf32>
        %get3A_80 = arith.index_cast %add3A_43 : i32 to index
        %get3A_81 = arith.constant 32 : index
        %get3A_82 = tpu.vector_load %arg10[%get3A_80, %get3A_81] {strides = array<i32>} : memref<128x48xf32, #tpu.memory_space<vmem>>, vector<1x16xf32>,
        %get3A_83 = vector.shape_cast %get3A_82 : vector<1x16xf32> to vector<16xf32>
        %mul3A_84 = vector.broadcast %squeeze3A_79 : f32 to vector<16xf32>
        %mul3A_85 = arith.mulf %get3A_83, %mul3A_84 : vector<16xf32>
        %swap3A_86 = arith.index_cast %add3A_43 : i32 to index
        %swap3A_87 = arith.constant 32 : index
        %swap3A_88 = tpu.vector_load %arg12[%swap3A_86, %swap3A_87] {strides = array<i32>} : memref<128x48xf32, #tpu.memory_space<vmem>>, vector<1x16xf32>,
        %swap3A_89 = vector.shape_cast %swap3A_88 : vector<1x16xf32> to vector<16xf32>
        %swap3A_90 = vector.shape_cast %mul3A_85 : vector<16xf32> to vector<1x16xf32>
        tpu.vector_store %arg12[%swap3A_86, %swap3A_87], %swap3A_90 {strides = array<i32>} : memref<128x48xf32, #tpu.memory_space<vmem>>, vector<1x16xf32>,
      }
      %scan3A_38 = arith.constant 128 : i32
      "tpu.region"() ({
        %run_scoped3A = tpu.sem_alloc : memref<!tpu.dma_semaphore, #tpu.memory_space<semaphore_mem>>
        %dma_start3A_39 = arith.constant 0 : i32
        %dma_start3A_40 = arith.constant 0 : i32
        %dma_start3A_41 = tpu.memref_slice %arg15[%dma_start3A_39, %dma_start3A_40] : memref<10112x48xf32, #tpu.memory_space<vmem_shared>> -> memref<10112x48xf32, #tpu.memory_space<vmem_shared>>
        tpu.enqueue_indirect_dma source(%arg12 : memref<128x48xf32, #tpu.memory_space<vmem>>) target(%dma_start3A_41 : memref<10112x48xf32, #tpu.memory_space<vmem_shared>>) offsets(%arg9 : memref<128xi32, #tpu.memory_space<vmem>>) semaphore(%run_scoped3A : memref<!tpu.dma_semaphore, #tpu.memory_space<semaphore_mem>>) {add = true}
        %dma_wait3A_42 = arith.constant 0 : i32
        %dma_wait3A_43 = arith.constant 0 : i32
        %dma_wait3A_44 = tpu.memref_slice %arg15[%dma_wait3A_42, %dma_wait3A_43] : memref<10112x48xf32, #tpu.memory_space<vmem_shared>> -> memref<10112x48xf32, #tpu.memory_space<vmem_shared>>
        tpu.wait_indirect_dma semaphore(%run_scoped3A : memref<!tpu.dma_semaphore, #tpu.memory_space<semaphore_mem>>) src(%arg12 : memref<128x48xf32, #tpu.memory_space<vmem>>) dst(%dma_wait3A_44 : memref<10112x48xf32, #tpu.memory_space<vmem_shared>>)
        tpu.yield
      }) : () -> ()
    }
    %scan3A_10 = arith.constant 81 : i32
    %barrier3A_11 = arith.constant 0 : index
    tpu.barrier barrier_id(%barrier3A_11)
    %mul3A_12 = arith.constant 632 : i32
    %mul3A_13 = arith.muli %arg1, %mul3A_12 : i32
    %mul3A_14 = arith.constant 632 : i32
    %mul3A_15 = arith.muli %arg1, %mul3A_14 : i32
    "tpu.region"() ({
      %run_scoped3A = tpu.sem_alloc : memref<!tpu.dma_semaphore, #tpu.memory_space<semaphore_mem>>
      %dma_start3A = arith.constant 0 : i32
      %dma_start3A_16 = tpu.memref_slice %arg7[%arg0, %mul3A_15, %dma_start3A] : memref<2x10112x48xf32, #tpu.memory_space<hbm>> -> memref<1x632x48xf32, #tpu.memory_space<hbm>>
      %dma_start3A_17 = tpu.memref_squeeze %dma_start3A_16 : memref<1x632x48xf32, #tpu.memory_space<hbm>> -> memref<632x48xf32, #tpu.memory_space<hbm>>
      %dma_start3A_18 = arith.constant 0 : i32
      %dma_start3A_19 = tpu.memref_slice %arg15[%mul3A_13, %dma_start3A_18] : memref<10112x48xf32, #tpu.memory_space<vmem_shared>> -> memref<632x48xf32, #tpu.memory_space<vmem_shared>>
      tpu.enqueue_dma source(%dma_start3A_19 : memref<632x48xf32, #tpu.memory_space<vmem_shared>>) target(%dma_start3A_17 : memref<632x48xf32, #tpu.memory_space<hbm>>) target_semaphore(%run_scoped3A : memref<!tpu.dma_semaphore, #tpu.memory_space<semaphore_mem>>)
      %dma_wait3A = arith.constant 0 : i32
      %dma_wait3A_20 = tpu.memref_slice %arg7[%arg0, %mul3A_15, %dma_wait3A] : memref<2x10112x48xf32, #tpu.memory_space<hbm>> -> memref<1x632x48xf32, #tpu.memory_space<hbm>>
      %dma_wait3A_21 = tpu.memref_squeeze %dma_wait3A_20 : memref<1x632x48xf32, #tpu.memory_space<hbm>> -> memref<632x48xf32, #tpu.memory_space<hbm>>
      %dma_wait3A_22 = arith.constant 0 : i32
      %dma_wait3A_23 = tpu.memref_slice %arg15[%mul3A_13, %dma_wait3A_22] : memref<10112x48xf32, #tpu.memory_space<vmem_shared>> -> memref<632x48xf32, #tpu.memory_space<vmem_shared>>
      tpu.wait_dma2 semaphore(%run_scoped3A : memref<!tpu.dma_semaphore, #tpu.memory_space<semaphore_mem>>) src(%dma_wait3A_23 : memref<632x48xf32, #tpu.memory_space<vmem_shared>>) dst(%dma_wait3A_21 : memref<632x48xf32, #tpu.memory_space<hbm>>)
      tpu.yield
    }) : () -> ()
    return
  }
}

module attributes {stable_mosaic.version = 14 : i64} {
  func.func @_dense1_body(%arg0: i32, %arg1: memref<2528x128xf32, #tpu.memory_space<vmem>>, %arg2: memref<128x144xf32, #tpu.memory_space<vmem>>, %arg3: memref<128x16xf32, #tpu.memory_space<vmem>>, %arg4: memref<2528x144xf32, #tpu.memory_space<vmem>>, %arg5: memref<2528x16xf32, #tpu.memory_space<vmem>>) attributes {dimension_semantics = [#tpu.dimension_semantics<arbitrary>], iteration_bounds = array<i64: 4>, scalar_prefetch = 0 : i64, scratch_operands = 0 : i64, tpu.core_type = #tpu.core_type<tc>, window_params = [{transform_indices = @transform_0, window_bounds = array<i64: 2528, 128>}, {pipeline_mode = #tpu.pipeline_mode<synchronous>, transform_indices = @transform_1, window_bounds = array<i64: 128, 144>}, {pipeline_mode = #tpu.pipeline_mode<synchronous>, transform_indices = @transform_2, window_bounds = array<i64: 128, 16>}, {transform_indices = @transform_3, window_bounds = array<i64: 2528, 144>}, {transform_indices = @transform_4, window_bounds = array<i64: 2528, 16>}]} {
    %get3A = arith.constant 0 : index
    %get3A_0 = arith.constant 0 : index
    %get3A_1 = vector.load %arg1[%get3A, %get3A_0] : memref<2528x128xf32, #tpu.memory_space<vmem>>, vector<2528x128xf32>
    %get3A_2 = arith.constant 0 : index
    %get3A_3 = arith.constant 0 : index
    %get3A_4 = vector.load %arg2[%get3A_2, %get3A_3] : memref<128x144xf32, #tpu.memory_space<vmem>>, vector<128x144xf32>
    %dot_general3A = arith.constant dense<0.000000e+00> : vector<2528x144xf32>
    %dot_general3A_5 = tpu.matmul %get3A_1, %get3A_4, %dot_general3A {dimension_numbers = #tpu.dot_dimension_numbers<[1], [0], [0], [1], [0, 0, 1, 1], [], []>, transpose_lhs_hint = false} : vector<2528x128xf32>, vector<128x144xf32>, vector<2528x144xf32> -> vector<2528x144xf32>
    %swap3A = arith.constant 0 : index
    %swap3A_6 = arith.constant 0 : index
    %swap3A_7 = vector.load %arg4[%swap3A, %swap3A_6] : memref<2528x144xf32, #tpu.memory_space<vmem>>, vector<2528x144xf32>
    tpu.vector_store %arg4[%swap3A, %swap3A_6], %dot_general3A_5 {strides = array<i32>} : memref<2528x144xf32, #tpu.memory_space<vmem>>, vector<2528x144xf32>,
    %get3A_8 = arith.constant 0 : index
    %get3A_9 = arith.constant 0 : index
    %get3A_10 = vector.load %arg3[%get3A_8, %get3A_9] : memref<128x16xf32, #tpu.memory_space<vmem>>, vector<128x16xf32>
    %dot_general3A_11 = arith.constant dense<0.000000e+00> : vector<2528x16xf32>
    %dot_general3A_12 = tpu.matmul %get3A_1, %get3A_10, %dot_general3A_11 {dimension_numbers = #tpu.dot_dimension_numbers<[1], [0], [0], [1], [0, 0, 1, 1], [], []>, transpose_lhs_hint = false} : vector<2528x128xf32>, vector<128x16xf32>, vector<2528x16xf32> -> vector<2528x16xf32>
    %swap3A_13 = arith.constant 0 : index
    %swap3A_14 = arith.constant 0 : index
    %swap3A_15 = vector.load %arg5[%swap3A_13, %swap3A_14] : memref<2528x16xf32, #tpu.memory_space<vmem>>, vector<2528x16xf32>
    tpu.vector_store %arg5[%swap3A_13, %swap3A_14], %dot_general3A_12 {strides = array<i32>} : memref<2528x16xf32, #tpu.memory_space<vmem>>, vector<2528x16xf32>,
    return
  }
  func.func @transform_0(%arg0: i32) -> (i32, i32) {
    %c0_i32 = arith.constant 0 : i32
    %c0_i32_0 = arith.constant 0 : i32
    return %arg0, %c0_i32 : i32, i32
  }
  func.func @transform_1(%arg0: i32) -> (i32, i32) {
    %c0_i32 = arith.constant 0 : i32
    %c0_i32_0 = arith.constant 0 : i32
    %c0_i32_1 = arith.constant 0 : i32
    return %c0_i32, %c0_i32_0 : i32, i32
  }
  func.func @transform_2(%arg0: i32) -> (i32, i32) {
    %c0_i32 = arith.constant 0 : i32
    %c0_i32_0 = arith.constant 0 : i32
    %c0_i32_1 = arith.constant 0 : i32
    return %c0_i32, %c0_i32_0 : i32, i32
  }
  func.func @transform_3(%arg0: i32) -> (i32, i32) {
    %c0_i32 = arith.constant 0 : i32
    %c0_i32_0 = arith.constant 0 : i32
    return %arg0, %c0_i32 : i32, i32
  }
  func.func @transform_4(%arg0: i32) -> (i32, i32) {
    %c0_i32 = arith.constant 0 : i32
    %c0_i32_0 = arith.constant 0 : i32
    return %arg0, %c0_i32 : i32, i32
  }
}

module attributes {stable_mosaic.version = 14 : i64} {
  func.func @_dense2_body(%arg0: i32, %arg1: memref<2x2528x144xf32, #tpu.memory_space<vmem>>, %arg2: memref<8x128xf32, #tpu.memory_space<vmem>>, %arg3: memref<1x128xf32, #tpu.memory_space<vmem>>, %arg4: memref<128x48xf32, #tpu.memory_space<vmem>>, %arg5: memref<128x16xf32, #tpu.memory_space<vmem>>, %arg6: memref<1x48xf32, #tpu.memory_space<vmem>>, %arg7: memref<2528x48xf32, #tpu.memory_space<vmem>>, %arg8: memref<2528x16xf32, #tpu.memory_space<vmem>>) attributes {dimension_semantics = [#tpu.dimension_semantics<arbitrary>], iteration_bounds = array<i64: 4>, scalar_prefetch = 0 : i64, scratch_operands = 0 : i64, tpu.core_type = #tpu.core_type<tc>, window_params = [{transform_indices = @transform_0, window_bounds = array<i64: 2, 2528, 144>}, {pipeline_mode = #tpu.pipeline_mode<synchronous>, transform_indices = @transform_1, window_bounds = array<i64: 8, 128>}, {pipeline_mode = #tpu.pipeline_mode<synchronous>, transform_indices = @transform_2, window_bounds = array<i64: 1, 128>}, {pipeline_mode = #tpu.pipeline_mode<synchronous>, transform_indices = @transform_3, window_bounds = array<i64: 128, 48>}, {pipeline_mode = #tpu.pipeline_mode<synchronous>, transform_indices = @transform_4, window_bounds = array<i64: 128, 16>}, {pipeline_mode = #tpu.pipeline_mode<synchronous>, transform_indices = @transform_5, window_bounds = array<i64: 1, 48>}, {transform_indices = @transform_6, window_bounds = array<i64: 2528, 48>}, {transform_indices = @transform_7, window_bounds = array<i64: 2528, 16>}]} {
    %get3A = arith.constant 0 : index
    %get3A_0 = arith.constant 0 : index
    %get3A_1 = arith.constant 0 : index
    %get3A_2 = vector.load %arg1[%get3A, %get3A_0, %get3A_1] : memref<2x2528x144xf32, #tpu.memory_space<vmem>>, vector<1x2528x144xf32>
    %get3A_3 = vector.shape_cast %get3A_2 : vector<1x2528x144xf32> to vector<2528x144xf32>
    %get3A_4 = arith.constant 1 : index
    %get3A_5 = arith.constant 0 : index
    %get3A_6 = arith.constant 0 : index
    %get3A_7 = vector.load %arg1[%get3A_4, %get3A_5, %get3A_6] : memref<2x2528x144xf32, #tpu.memory_space<vmem>>, vector<1x2528x144xf32>
    %get3A_8 = vector.shape_cast %get3A_7 : vector<1x2528x144xf32> to vector<2528x144xf32>
    %add3A = arith.addf %get3A_3, %get3A_8 : vector<2528x144xf32>
    %slice3A = vector.extract_strided_slice %add3A {offsets = [0, 0], sizes = [2528, 128], strides = [1, 1]} : vector<2528x144xf32> to vector<2528x128xf32>
    %slice3A_9 = vector.extract_strided_slice %add3A {offsets = [0, 128], sizes = [2528, 8], strides = [1, 1]} : vector<2528x144xf32> to vector<2528x8xf32>
    %get3A_10 = arith.constant 0 : index
    %get3A_11 = arith.constant 0 : index
    %get3A_12 = vector.load %arg2[%get3A_10, %get3A_11] : memref<8x128xf32, #tpu.memory_space<vmem>>, vector<8x128xf32>
    %dot_general3A = arith.constant dense<0.000000e+00> : vector<2528x128xf32>
    %dot_general3A_13 = tpu.matmul %slice3A_9, %get3A_12, %dot_general3A {dimension_numbers = #tpu.dot_dimension_numbers<[1], [0], [0], [1], [0, 0, 1, 1], [], []>, transpose_lhs_hint = false} : vector<2528x8xf32>, vector<8x128xf32>, vector<2528x128xf32> -> vector<2528x128xf32>
    %add3A_14 = arith.constant 1.000000e-16 : f32
    %add3A_15 = vector.broadcast %add3A_14 : f32 to vector<2528x128xf32>
    %add3A_16 = arith.addf %dot_general3A_13, %add3A_15 : vector<2528x128xf32>
    %div3A = arith.divf %slice3A, %add3A_16 : vector<2528x128xf32>
    %get3A_17 = arith.constant 0 : index
    %get3A_18 = arith.constant 0 : index
    %get3A_19 = vector.load %arg3[%get3A_17, %get3A_18] : memref<1x128xf32, #tpu.memory_space<vmem>>, vector<1x128xf32>
    %add3A_20 = vector.broadcast %get3A_19 : vector<1x128xf32> to vector<2528x128xf32>
    %add3A_21 = arith.addf %div3A, %add3A_20 : vector<2528x128xf32>
    %gt3A = arith.constant 0.000000e+00 : f32
    %gt3A_22 = vector.broadcast %gt3A : f32 to vector<2528x128xf32>
    %gt3A_23 = arith.cmpf ogt, %add3A_21, %gt3A_22 : vector<2528x128xf32>
    %exp3A = math.exp %add3A_21 : vector<2528x128xf32>
    %sub3A = arith.constant 1.000000e+00 : f32
    %sub3A_24 = vector.broadcast %sub3A : f32 to vector<2528x128xf32>
    %sub3A_25 = arith.subf %exp3A, %sub3A_24 : vector<2528x128xf32>
    %select_n3A = arith.select %gt3A_23, %add3A_21, %sub3A_25 : vector<2528x128xi1>, vector<2528x128xf32>
    %get3A_26 = arith.constant 0 : index
    %get3A_27 = arith.constant 0 : index
    %get3A_28 = vector.load %arg4[%get3A_26, %get3A_27] : memref<128x48xf32, #tpu.memory_space<vmem>>, vector<128x48xf32>
    %dot_general3A_29 = arith.constant dense<0.000000e+00> : vector<2528x48xf32>
    %dot_general3A_30 = tpu.matmul %select_n3A, %get3A_28, %dot_general3A_29 {dimension_numbers = #tpu.dot_dimension_numbers<[1], [0], [0], [1], [0, 0, 1, 1], [], []>, transpose_lhs_hint = false} : vector<2528x128xf32>, vector<128x48xf32>, vector<2528x48xf32> -> vector<2528x48xf32>
    %get3A_31 = arith.constant 0 : index
    %get3A_32 = arith.constant 0 : index
    %get3A_33 = vector.load %arg6[%get3A_31, %get3A_32] : memref<1x48xf32, #tpu.memory_space<vmem>>, vector<1x48xf32>
    %add3A_34 = vector.broadcast %get3A_33 : vector<1x48xf32> to vector<2528x48xf32>
    %add3A_35 = arith.addf %dot_general3A_30, %add3A_34 : vector<2528x48xf32>
    %swap3A = arith.constant 0 : index
    %swap3A_36 = arith.constant 0 : index
    %swap3A_37 = vector.load %arg7[%swap3A, %swap3A_36] : memref<2528x48xf32, #tpu.memory_space<vmem>>, vector<2528x48xf32>
    tpu.vector_store %arg7[%swap3A, %swap3A_36], %add3A_35 {strides = array<i32>} : memref<2528x48xf32, #tpu.memory_space<vmem>>, vector<2528x48xf32>,
    %get3A_38 = arith.constant 0 : index
    %get3A_39 = arith.constant 0 : index
    %get3A_40 = vector.load %arg5[%get3A_38, %get3A_39] : memref<128x16xf32, #tpu.memory_space<vmem>>, vector<128x16xf32>
    %dot_general3A_41 = arith.constant dense<0.000000e+00> : vector<2528x16xf32>
    %dot_general3A_42 = tpu.matmul %select_n3A, %get3A_40, %dot_general3A_41 {dimension_numbers = #tpu.dot_dimension_numbers<[1], [0], [0], [1], [0, 0, 1, 1], [], []>, transpose_lhs_hint = false} : vector<2528x128xf32>, vector<128x16xf32>, vector<2528x16xf32> -> vector<2528x16xf32>
    %swap3A_43 = arith.constant 0 : index
    %swap3A_44 = arith.constant 0 : index
    %swap3A_45 = vector.load %arg8[%swap3A_43, %swap3A_44] : memref<2528x16xf32, #tpu.memory_space<vmem>>, vector<2528x16xf32>
    tpu.vector_store %arg8[%swap3A_43, %swap3A_44], %dot_general3A_42 {strides = array<i32>} : memref<2528x16xf32, #tpu.memory_space<vmem>>, vector<2528x16xf32>,
    return
  }
  func.func @transform_0(%arg0: i32) -> (i32, i32, i32) {
    %c0_i32 = arith.constant 0 : i32
    %c0_i32_0 = arith.constant 0 : i32
    %c0_i32_1 = arith.constant 0 : i32
    return %c0_i32, %arg0, %c0_i32_0 : i32, i32, i32
  }
  func.func @transform_1(%arg0: i32) -> (i32, i32) {
    %c0_i32 = arith.constant 0 : i32
    %c0_i32_0 = arith.constant 0 : i32
    %c0_i32_1 = arith.constant 0 : i32
    return %c0_i32, %c0_i32_0 : i32, i32
  }
  func.func @transform_2(%arg0: i32) -> (i32, i32) {
    %c0_i32 = arith.constant 0 : i32
    %c0_i32_0 = arith.constant 0 : i32
    %c0_i32_1 = arith.constant 0 : i32
    return %c0_i32, %c0_i32_0 : i32, i32
  }
  func.func @transform_3(%arg0: i32) -> (i32, i32) {
    %c0_i32 = arith.constant 0 : i32
    %c0_i32_0 = arith.constant 0 : i32
    %c0_i32_1 = arith.constant 0 : i32
    return %c0_i32, %c0_i32_0 : i32, i32
  }
  func.func @transform_4(%arg0: i32) -> (i32, i32) {
    %c0_i32 = arith.constant 0 : i32
    %c0_i32_0 = arith.constant 0 : i32
    %c0_i32_1 = arith.constant 0 : i32
    return %c0_i32, %c0_i32_0 : i32, i32
  }
  func.func @transform_5(%arg0: i32) -> (i32, i32) {
    %c0_i32 = arith.constant 0 : i32
    %c0_i32_0 = arith.constant 0 : i32
    %c0_i32_1 = arith.constant 0 : i32
    return %c0_i32, %c0_i32_0 : i32, i32
  }
  func.func @transform_6(%arg0: i32) -> (i32, i32) {
    %c0_i32 = arith.constant 0 : i32
    %c0_i32_0 = arith.constant 0 : i32
    return %arg0, %c0_i32 : i32, i32
  }
  func.func @transform_7(%arg0: i32) -> (i32, i32) {
    %c0_i32 = arith.constant 0 : i32
    %c0_i32_0 = arith.constant 0 : i32
    return %arg0, %c0_i32 : i32, i32
  }
}

module attributes {stable_mosaic.version = 14 : i64} {
  func.func @_final_body(%arg0: i32, %arg1: memref<2x1000x48xf32, #tpu.memory_space<vmem>>, %arg2: memref<1x40xf32, #tpu.memory_space<vmem>>, %arg3: memref<1000x40xf32, #tpu.memory_space<vmem>>) attributes {dimension_semantics = [#tpu.dimension_semantics<arbitrary>], iteration_bounds = array<i64: 10>, scalar_prefetch = 0 : i64, scratch_operands = 0 : i64, tpu.core_type = #tpu.core_type<tc>, window_params = [{transform_indices = @transform_0, window_bounds = array<i64: 2, 1000, 48>}, {pipeline_mode = #tpu.pipeline_mode<synchronous>, transform_indices = @transform_1, window_bounds = array<i64: 1, 40>}, {transform_indices = @transform_2, window_bounds = array<i64: 1000, 40>}]} {
    %get3A = arith.constant 0 : index
    %get3A_0 = arith.constant 0 : index
    %get3A_1 = arith.constant 0 : index
    %get3A_2 = vector.load %arg1[%get3A, %get3A_0, %get3A_1] : memref<2x1000x48xf32, #tpu.memory_space<vmem>>, vector<1x1000x48xf32>
    %get3A_3 = vector.shape_cast %get3A_2 : vector<1x1000x48xf32> to vector<1000x48xf32>
    %get3A_4 = arith.constant 1 : index
    %get3A_5 = arith.constant 0 : index
    %get3A_6 = arith.constant 0 : index
    %get3A_7 = vector.load %arg1[%get3A_4, %get3A_5, %get3A_6] : memref<2x1000x48xf32, #tpu.memory_space<vmem>>, vector<1x1000x48xf32>
    %get3A_8 = vector.shape_cast %get3A_7 : vector<1x1000x48xf32> to vector<1000x48xf32>
    %add3A = arith.addf %get3A_3, %get3A_8 : vector<1000x48xf32>
    %slice3A = vector.extract_strided_slice %add3A {offsets = [0, 0], sizes = [1000, 40], strides = [1, 1]} : vector<1000x48xf32> to vector<1000x40xf32>
    %slice3A_9 = vector.extract_strided_slice %add3A {offsets = [0, 41], sizes = [1000, 1], strides = [1, 1]} : vector<1000x48xf32> to vector<1000x1xf32>
    %add3A_10 = arith.constant 1.000000e-16 : f32
    %add3A_11 = vector.broadcast %add3A_10 : f32 to vector<1000x1xf32>
    %add3A_12 = arith.addf %slice3A_9, %add3A_11 : vector<1000x1xf32>
    %div3A = vector.broadcast %add3A_12 : vector<1000x1xf32> to vector<1000x40xf32>
    %div3A_13 = arith.divf %slice3A, %div3A : vector<1000x40xf32>
    %get3A_14 = arith.constant 0 : index
    %get3A_15 = arith.constant 0 : index
    %get3A_16 = vector.load %arg2[%get3A_14, %get3A_15] : memref<1x40xf32, #tpu.memory_space<vmem>>, vector<1x40xf32>
    %add3A_17 = vector.broadcast %get3A_16 : vector<1x40xf32> to vector<1000x40xf32>
    %add3A_18 = arith.addf %div3A_13, %add3A_17 : vector<1000x40xf32>
    %reduce_max3A = arith.constant dense<0xFF800000> : vector<1000xf32>
    %reduce_max3A_19 = vector.multi_reduction <maximumf>, %add3A_18, %reduce_max3A [1] : vector<1000x40xf32> to vector<1000xf32>
    %broadcast_in_dim3A = vector.shape_cast %reduce_max3A_19 : vector<1000xf32> to vector<1000x1xf32>
    %sub3A = vector.broadcast %broadcast_in_dim3A : vector<1000x1xf32> to vector<1000x40xf32>
    %sub3A_20 = arith.subf %add3A_18, %sub3A : vector<1000x40xf32>
    %exp3A = math.exp %sub3A_20 : vector<1000x40xf32>
    %reduce_sum3A = arith.constant dense<0.000000e+00> : vector<1000xf32>
    %reduce_sum3A_21 = vector.multi_reduction <add>, %exp3A, %reduce_sum3A [1] : vector<1000x40xf32> to vector<1000xf32>
    %broadcast_in_dim3A_22 = vector.shape_cast %reduce_sum3A_21 : vector<1000xf32> to vector<1000x1xf32>
    %sub3A_23 = vector.broadcast %broadcast_in_dim3A : vector<1000x1xf32> to vector<1000x40xf32>
    %sub3A_24 = arith.subf %add3A_18, %sub3A_23 : vector<1000x40xf32>
    %log3A = math.log %broadcast_in_dim3A_22 : vector<1000x1xf32>
    %sub3A_25 = vector.broadcast %log3A : vector<1000x1xf32> to vector<1000x40xf32>
    %sub3A_26 = arith.subf %sub3A_24, %sub3A_25 : vector<1000x40xf32>
    %swap3A = arith.constant 0 : index
    %swap3A_27 = arith.constant 0 : index
    %swap3A_28 = vector.load %arg3[%swap3A, %swap3A_27] : memref<1000x40xf32, #tpu.memory_space<vmem>>, vector<1000x40xf32>
    tpu.vector_store %arg3[%swap3A, %swap3A_27], %sub3A_26 {strides = array<i32>} : memref<1000x40xf32, #tpu.memory_space<vmem>>, vector<1000x40xf32>,
    return
  }
  func.func @transform_0(%arg0: i32) -> (i32, i32, i32) {
    %c0_i32 = arith.constant 0 : i32
    %c0_i32_0 = arith.constant 0 : i32
    %c0_i32_1 = arith.constant 0 : i32
    return %c0_i32, %arg0, %c0_i32_0 : i32, i32, i32
  }
  func.func @transform_1(%arg0: i32) -> (i32, i32) {
    %c0_i32 = arith.constant 0 : i32
    %c0_i32_0 = arith.constant 0 : i32
    %c0_i32_1 = arith.constant 0 : i32
    return %c0_i32, %c0_i32_0 : i32, i32
  }
  func.func @transform_2(%arg0: i32) -> (i32, i32) {
    %c0_i32 = arith.constant 0 : i32
    %c0_i32_0 = arith.constant 0 : i32
    return %arg0, %c0_i32 : i32, i32
  }
}

</mosaic_0001>

<sc_bundles>
// kernel: kernel.10.cloned.1.call-start
scs
__scs_entry_jumppad:
0x0: {  	(pc) =	sbr.rel $0x88, $3  }
0x1: {  	(tag) =	ssettag $0x0;
	lr =	simm.s32 $0x1  }
0x2: {  	[smem:$0x3F97] =	sst lr;
	_ =	strace $0xD0000000  }
0x3: {  	_ = 	snop  }
0x4: {  	_ = 	snop  }
0x5: {  	_ = 	snop  }
0x6: {  	_ = 	snop  }
0x7: {  	_ = 	snop  }
__scs_overlays_trampoline_lowered:
0x8: {  	[smem:$0x3FA6] =	sst s0  }
0x9: {  	[smem:$0x3FA7] =	sst s1  }
0xa: {  	[smem:$0x3FA8] =	sst s2  }
0xb: {  	[smem:$0x3FA9] =	sst s3  }
0xc: {  	[smem:$0x3FAA] =	sst s4  }
0xd: {  	[smem:$0x3FAB] =	sst s5  }
0xe: {  	[smem:$0x3FAC] =	sst s6  }
0xf: {  	[smem:$0x3FAD] =	sst s7  }
0x10: {  	[smem:$0x3FAE] =	sst s8  }
0x11: {  	[smem:$0x3FAF] =	sst s9;
	s0 =	simm.s32 @!p0 $0x0  }
0x12: {  	s1 =	sld [smem:$0x3F95];
	s0 =	simm.s32 @p0 $0x1  }
0x13: {  	[smem:$0x3FB0] =	sst s0;
	s0 =	simm.s32 @!p1 $0x0  }
0x14: {  	s2 =	sld [smem:$0x3F94];
	s0 =	simm.s32 @p1 $0x1  }
0x15: {  	[smem:$0x3FB1] =	sst s0;
	s0 =	simm.s32 @!p2 $0x0  }
0x16: {  	s3 =	sld [smem:$0x3FDB];
	s0 =	simm.s32 @p2 $0x1  }
0x17: {  	s4 =	simm.s32 $0x1BF5;
	[smem:$0x3FB3] =	sst s0  }
0x18: {  	s0 =	sld [smem:$0x3F96];
	_ =	swait.ge [sflag:s4], $0x0  }
0x19: {  	s7 =	sld [smem:$0x3F97]  }
0x1a: {  	s8 =	sadd.s32 $0xFFFFE003, lr  }
0x1b: {  	s9 =	sadd.s32 $0xFFFFFEF7, lr;
	s5 =	simm.s32 $0xFFFFFFFF;
	p2 =	slt.u32 s8, $0xFFFFF086  }
0x1c: {  	p1 =	slt.u32 s9, $0xF7A;
	s5 =	simm.s32 @!p2 $0x0  }
0x1d: {  	s5 =	simm.s32 @p1 $0x1;
	p0 =	seq.s32 s7, s2  }
0x1e: {  	s7 =	smul.u32 @!p0 $0xF7A, s2;
	p2 =	seq.s32 @!p0 s5, $0x0  }
0x1f: {  	s9 =	smul.u32 $0xF7A, s1;
	s8 =	simm.s32 @!p0 $0x1BF5;
	p2 =	por !p2, p0  }
0x20: {  	[sflag:s8] =	ssyncset.s32 @!p0 $0xFFFFF086;
	s6 =	sadd.s32 @!p0 s3, s7;
	s7 =	simm.s32 @!p0 $0x108  }
0x21: {  	s3 =	sadd.s32 s3, s9;
	s6 =	sadd.s32 @!p0 $0x88, s6;
	s7 =	simm.s32 @p2 $0x1082  }
0x22: {  	[simem:s7], [sflag:s8] =	dma.local @!p0 [hbm:s6], $0xF7A  }
0x23: {  	s9 =	sor.u32 $0xD0000000, s2;
	s6 =	simm.s32 $0x108;
	_ =	swait.ge @!p0 [sflag:s8], $0x0  }
0x24: {  	s3 =	sadd.s32 $0x88, s3;
	s6 =	simm.s32 @!p1 $0x1082;
	[sflag:s4] =	ssyncset.s32 $0xFFFFF086  }
0x25: {  	[simem:s6], [sflag:s4] =	dma.local [hbm:s3], $0xF7A  }
0x26: {  	[smem:$0x3F97] =	sst s1;
	(tag) =	ssettag s2;
	_ =	strace s9  }
0x27: {  	s1 =	sld [smem:$0x3FA7]  }
0x28: {  	s2 =	sld [smem:$0x3FA8]  }
0x29: {  	s4 =	sld [smem:$0x3FAA]  }
0x2a: {  	p0 =	seq.s32 s5, $0x0;
	s5 =	sld [smem:$0x3FAB]  }
0x2b: {  	s6 =	sld [smem:$0x3FAC]  }
0x2c: {  	s7 =	sld [smem:$0x3FAD]  }
0x2d: {  	s3 =	simm.s32 $0x108;
	s8 =	sld [smem:$0x3FAE]  }
0x2e: {  	s3 =	simm.s32 @!p0 $0x1082;
	s9 =	sld [smem:$0x3FAF]  }
0x2f: {  	lr =	sadd.s32 s0, s3;
	s0 =	sld [smem:$0x3FA6]  }
0x30: {  	s3 =	sld [smem:$0x3FA9]  }
0x31: {  	[smem:$0x3FB2] =	sst s10  }
0x32: {  	s10 =	sld [smem:$0x3FB0];
	_ =	sdelay $0x3  }
0x33: {  	p0 =	seq.s32 s10, $0x1;
	s10 =	sld [smem:$0x3FB2];
	_ =	sdelay $0x3  }
0x34: {  	[smem:$0x3FB2] =	sst s10  }
0x35: {  	s10 =	sld [smem:$0x3FB1];
	_ =	sdelay $0x3  }
0x36: {  	p1 =	seq.s32 s10, $0x1;
	s10 =	sld [smem:$0x3FB2];
	_ =	sdelay $0x3  }
0x37: {  	[smem:$0x3FB2] =	sst s10  }
0x38: {  	s10 =	sld [smem:$0x3FB3]  }
0x39: {  	_ = 	snop;
	(pc) =	sbr.ind lr, $3  }
0x3a: {  	_ = 	snop  }
0x3b: {  	_ = 	snop  }
0x3c: {  	p2 =	seq.s32 s10, $0x1;
	s10 =	sld [smem:$0x3FB2]  }
0x3d: {  	_ =	shalt  }
0x3e: {  	_ =	shalt  }
0x3f: {  	_ =	shalt  }
0x40: {  	_ =	shalt  }
0x41: {  	_ =	shalt  }
0x42: {  	_ =	shalt  }
0x43: {  	_ =	shalt  }
0x44: {  	_ =	shalt  }
0x45: {  	_ =	shalt  }
0x46: {  	_ =	shalt  }
0x47: {  	_ =	shalt  }
0x48: {  	_ =	shalt  }
0x49: {  	_ =	shalt  }
0x4a: {  	_ =	shalt  }
0x4b: {  	_ =	shalt  }
0x4c: {  	_ =	shalt  }
0x4d: {  	_ =	shalt  }
0x4e: {  	_ =	shalt  }
0x4f: {  	_ =	shalt  }
0x50: {  	_ =	shalt  }
0x51: {  	_ =	shalt  }
0x52: {  	_ =	shalt  }
0x53: {  	_ =	shalt  }
0x54: {  	_ =	shalt  }
0x55: {  	_ =	shalt  }
0x56: {  	_ =	shalt  }
0x57: {  	_ =	shalt  }
0x58: {  	_ =	shalt  }
0x59: {  	_ =	shalt  }
0x5a: {  	_ =	shalt  }
0x5b: {  	_ =	shalt  }
0x5c: {  	_ =	shalt  }
0x5d: {  	_ =	shalt  }
0x5e: {  	_ =	shalt  }
0x5f: {  	_ =	shalt  }
0x60: {  	_ =	shalt  }
0x61: {  	_ =	shalt  }
0x62: {  	_ =	shalt  }
0x63: {  	_ =	shalt  }
0x64: {  	_ =	shalt  }
0x65: {  	_ =	shalt  }
0x66: {  	_ =	shalt  }
0x67: {  	_ =	shalt  }
0x68: {  	_ =	shalt  }
0x69: {  	_ =	shalt  }
0x6a: {  	_ =	shalt  }
0x6b: {  	_ =	shalt  }
0x6c: {  	_ =	shalt  }
0x6d: {  	_ =	shalt  }
0x6e: {  	_ =	shalt  }
0x6f: {  	_ =	shalt  }
0x70: {  	_ =	shalt  }
0x71: {  	_ =	shalt  }
0x72: {  	_ =	shalt  }
0x73: {  	_ =	shalt  }
0x74: {  	_ =	shalt  }
0x75: {  	_ =	shalt  }
0x76: {  	_ =	shalt  }
0x77: {  	_ =	shalt  }
0x78: {  	_ =	shalt  }
0x79: {  	_ =	shalt  }
0x7a: {  	_ =	shalt  }
0x7b: {  	_ =	shalt  }
0x7c: {  	_ =	shalt  }
0x7d: {  	_ =	shalt  }
0x7e: {  	_ =	shalt  }
0x7f: {  	_ =	shalt  }
0x80: {  	_ =	shalt  }
0x81: {  	_ =	shalt  }
0x82: {  	_ =	shalt  }
0x83: {  	_ =	shalt  }
0x84: {  	_ =	shalt  }
0x85: {  	_ =	shalt  }
0x86: {  	_ =	shalt  }
0x87: {  	_ =	shalt  }
.Lfunc_end0:
.L_simem_size_0:
called_computation.1_lowered:
.L_overlay_start_0:
0x88: {  	s2 =	sld [smem:$0x3FD9]  }
0x89: {  	s3 =	sld [smem:$0x3FFE];
	_ =	sdelay $0x1  }
0x8a: {  	s1 =	srdreg.scid  }
0x8b: {  	s0 =	sand.u32 $0x1, s1  }
0x8c: {  	s17 =	sshll.u32 s0, $0xA;
	s2 =	sadd.s32 s3, s2  }
0x8d: {  	s2 =	sadd.s32 s2, s17  }
0x8e: {  	[smem:$0x3FBE] =	sst s2  }
0x8f: {  	_ = 	snop  }
0x90: {  	s2 =	sld [smem:$0x3FD0];
	(tm) =	ssettm $0x1  }
0x91: {  	s18 =	sld [smem:$0x3FFB];
	_ =	sdelay $0x3  }
0x92: {  	_ =	strace s18  }
0x93: {  	s3 =	sld [smem:$0x3FFC];
	_ =	sdelay $0x3  }
0x94: {  	_ =	strace s3  }
0x95: {  	s3 =	sld [smem:$0x3FFD];
	_ =	sdelay $0x3  }
0x96: {  	_ =	strace s3  }
0x97: {  	_ =	strace $0x8FFFFFFF  }
0x98: {  	s19 =	sld [smem:$0x3FDB];
	_ =	sdelay $0x1  }
0x99: {  	s4 =	simm.s32 $_scs_section_size  }
0x9a: {  	s5 =	simm.s32 $_size__tile_overlayer_lowered;
	s6 =	simm.s32 $_tile_overlayer_lowered  }
0x9b: {  	s22 =	simm.s32 $0x1BFF;
	s21 =	sshll.u32 s6, $0x1;
	s3 =	sadd.s32 s4, s19  }
0x9c: {  	s7 =	simm.s32 $0x0;
	s20 =	sshll.u32 s5, $0x1;
	s5 =	sadd.s32 s21, s3  }
0x9d: {  	[timem:s7], [sflag:s22] =	dma.local [hbm:s5], s20  }
0x9e: {  	_ =	swait.ge [sflag:s22], s20  }
0x9f: {  	s4 =	ssub.s32 $0x0, s20;
	[sflag:s22] =	ssyncset.done $0x0  }
0xa0: {  	[sflag:s22] =	ssyncadd.s32 s4;
	_ =	sdelay $0x1  }
0xa1: {  	s23 =	simm.s32 $0x1B8B  }
0xa2: {  	_ =	swait.ge [sflag:s23], $0x1  }
0xa3: {  	[sflag:s23] =	ssyncset.done $0x0  }
0xa4: {  	s25 =	simm.s32 $0x1B8E;
	s24 =	sld [smem:$0x3FFE];
	[sflag:s23] =	ssyncadd.s32 $0xFFFFFFFF  }
0xa5: {  	s26 =	simm.s32 $execute0_lowered;
	[smem:$0x3FD2] =	sst s25  }
0xa6: {  	s5 =	sshll.u32 s26, $0x1;
	_ =	strace $0x80000049;
	[dreg:$0x1] =	wrdreg $0xFFFFFFFF  }
0xa7: {  	s28 =	simm.s32 $_size_execute0_lowered;
	s3 =	sadd.s32 s3, s5;
	[dreg:$0x0] =	wrdreg $0x0  }
0xa8: {  	s5 =	sshll.u32 s28, $0x1;
	[dreg:$0x2] =	wrdreg s3  }
0xa9: {  	[dreg:$0x3] =	wrdreg s5  }
0xaa: {  	[dreg:$0x4] =	wrdreg $0xC0  }
0xab: {  	_ =	task [dreg:s7], $0x5FFFF  }
0xac: {  	[dreg:$0x1] =	wrdreg $0xFFFFFFFF  }
0xad: {  	[dreg:$0x0] =	wrdreg $0x60  }
0xae: {  	[dreg:$0x2] =	wrdreg s24  }
0xaf: {  	[dreg:$0x3] =	wrdreg s2  }
0xb0: {  	[dreg:$0x4] =	wrdreg $0x39000  }
0xb1: {  	[dreg:$0x5] =	wrdreg $0x9  }
0xb2: {  	_ =	task.clear_ibuf [dreg:s7], $0x6FFFF;
	_ =	strace $0x90000049  }
0xb3: {  	s29 =	simm.s32 $0x9;
	_ =	strace $0x8000004B  }
0xb4: {  	_ =	swait.ge [sflag:s29], $0x1  }
0xb5: {  	[sflag:s29] =	ssyncadd.s32 $0xFFFFFFFF  }
0xb6: {  	_ =	strace $0x9000004B  }
0xb7: {  	_ =	sfence  }
0xb8: {  	s30 =	sld [smem:$0x0];
	_ =	sdelay $0x2  }
0xb9: {  	s31 =	sshll.u32 s1, $0xD;
	s1 =	sshrl.u32 s1, $0x2  }
0xba: {  	s3 =	sand.u32 $0x4000, s31;
	s1 =	sadd.s32 s1, s30  }
0xbb: {  	s0 =	sor.u32 s3, s0;
	s1 =	sshll.u32 s1, $0x11  }
0xbc: {  	s0 =	sor.u32 s1, s0  }
0xbd: {  	s0 =	sadd.s32 $0x8F2B, s0  }
0xbe: {  	[sflag:s0] =	ssyncadd.remote.s32 $0x1  }
0xbf: {  	_ =	sfence.sel $0xFFFF  }
0xc0: {  	[dreg:$0x0] =	wrdreg $0xFFFFFFFF;
	(pc) =	sbr.abs _section_cstart, $3  }
0xc1: {  	[dreg:$0x1] =	wrdreg $0xFFFFFFFF  }
0xc2: {  	_ =	task.clear_ibuf [dreg:s7], $0x2FFFF;
	_ =	strace $0x9FFFFFFF  }
0xc3: {  	(tm) =	ssettm $0x7FFFFFFF  }
tec
execute0_lowered:
.L_overlay_start_1:
0x0: {  	(tag) =	ssettag $0x1  }
0x1: {  	s8 =	rddreg [dreg:$0x0]  }
0x2: {  	s2 =	rddreg [dreg:$0x1]  }
0x3: {  	s3 =	rddreg [dreg:$0x2]  }
0x4: {  	s0 =	rddreg [dreg:$0x3];
	s4 =	simm.s32 $0x0;
	s1 =	stileid.u32  }
0x5: {  	s5 =	srdreg.scid;
	s15 =	simm.s32 $0x80;
	s16 =	simm.s32 $0x100  }
0x6: {  	s17 =	simm.s32 $0x1;
	s18 =	simm.s32 $0x2;
	s19 =	simm.s32 $0x2100  }
0x7: {  	[smem:$0x7FF] =	sst s4;
	s9 =	smul.u32 $0x7680, s1;
	s10 =	sand.u32 $0x1, s5  }
0x8: {  	s5 =	sadd.s32 $0xE00, s8;
	s6 =	sadd.s32 $0xFC00, s8;
	s7 =	sadd.s32 $0x32600, s8  }
0x9: {  	s31 =	sshll.u32 s1, $0x6;
	_ =	strace $0x8000004A;
	s11 =	smul.u32 $0x76800, s10  }
0xa: {  	s13 =	ssub.s32 $0x2, s10;
	s29 =	sshll.u32 s10, $0x4;
	s12 =	sshrl.u32 s9, $0x3  }
0xb: {  	s14 =	sshrl.u32 s13, $0x1;
	s30 =	sadd.s32 s9, s3;
	s10 =	sor.u32 s1, s29  }
0xc: {  	s11 =	sadd.s32 s9, s11;
	s12 =	sadd.s32 s12, s8;
	s13 =	ssub.s32 s13, s14  }
0xd: {  	s9 =	sor.u32 $0x1C03, s31;
	s10 =	smul.u32 $0x2880, s10;
	s11 =	sshrl.u32 s11, $0x3  }
0xe: {  	s14 =	simm.s32 $0x3;
	s11 =	sadd.s32 s11, s8;
	s8 =	sadd.s32 $0x14C00, s12  }
0xf: {  	s12 =	smax.u32 s13, $0x1;
	s13 =	sshrl.u32 s30, $0x3;
	s11 =	sadd.s32 $0x3C800, s11  }
.LBB2_1:
0x10: {  	[spmem:s13], [sflag:s9] =	dma.local [hbm:s8], $0xED0  }
0x11: {  	_ =	swait.ge [sflag:s14], $0xED0  }
0x12: {  	[sflag:s14] =	ssyncset.done $0x0  }
0x13: {  	[sflag:s14] =	ssyncadd.s32 $0xFFFFF130  }
0x14: {  	s20 =	simm.s32 $0x0;
	[bflag:$0x0] =	sbarrier.arrive $0xFFFF  }
.LBB2_2:
0x15: {  	s21 =	sshll.u32 s20, $0x7  }
0x16: {  	s21 =	sadd.s32 s10, s21  }
0x17: {  	s21 =	sshrl.u32 s21, $0x3  }
0x18: {  	s23 =	simm.s32 $0x0;
	s22 =	sadd.s32 s2, s21  }
0x19: {  	[tilespmem:s23], [sflag:$0x3] =	stream.linear.gather [hbm4b:s22+s23], $0x80, $0x38;
	[tilespmem:$0xAF80] =	vst v63  }
0x1a: {  	_ =	swait.ge [sflag:s14], $0x80  }
0x1b: {  	[sflag:s14] =	ssyncset.done $0x0  }
0x1c: {  	s21 =	sadd.s32 s7, s21;
	[sflag:s14] =	ssyncadd.s32 $0xFFFFFF80  }
0x1d: {  	[tilespmem:s15], [sflag:$0x3] =	stream.linear.gather [hbm4b:s21+s23], $0x80, $0x38;
	[tilespmem:$0xAF80] =	vst v63  }
0x1e: {  	_ =	swait.ge [sflag:s14], $0x80  }
0x1f: {  	[sflag:s14] =	ssyncset.done $0x0  }
0x20: {  	[sflag:s14] =	ssyncadd.s32 $0xFFFFFF80  }
0x21: {  	[tilespmem:s16], [sflag:$0x1] =	stream.indirect.gather [hbm4b:s5+s15], $0x30, s23, s15, $0xb8;
	[tilespmem:$0xAF80] =	vst v63  }
0x22: {  	s22 =	simm.s32 $0x1900  }
0x23: {  	[tilespmem:s22], [sflag:$0x2] =	stream.indirect.gather [hbm4b:s6+s15], $0x10, s15, s15, $0xb8;
	[tilespmem:$0xAF80] =	vst v63  }
0x24: {  	_ =	swait.ge [sflag:s17], $0x1800  }
0x25: {  	[sflag:s17] =	ssyncset.done $0x0  }
0x26: {  	[sflag:s17] =	ssyncadd.s32 $0xFFFFE800  }
0x27: {  	_ =	swait.ge [sflag:s18], $0x800  }
0x28: {  	[sflag:s18] =	ssyncset.done $0x0  }
0x29: {  	s21 =	simm.s32 $0x0;
	[sflag:s18] =	ssyncadd.s32 $0xFFFFF800  }
0x2a: {  	s23 =	simm.s32 $0xC0;
	v0 =	vld [tilespmem:s21+$0x120]  }
.LBB2_3:
0x2b: {  	p0 =	sne.s32 s23, $0x5F40;
	v1 =	vld [tilespmem:s22+$0x0];
	_ =	sdelay $0x4  }
0x2c: {  	v1 =	vadd.f32 v1, v0;
	_ =	sdelay $0x1  }
0x2d: {  	v2 =	vmul.f32 $2.000000030e-01, v1;
	_ =	sdelay $0x1  }
0x2e: {  	v1 =	vmax.f32 v1, v2  }
0x2f: {  	v1 =	vmul.f32 $1.442695020e+00, v1;
	_ =	sdelay $0x1  }
0x30: {  	(erf) = vpow2.f32 v1;
	_ =	sdelay $0x5  }
0x31: {  	v1 =	vld [tilespmem:s21+$0x100]  }
0x32: {  	v2 =	vld [tilespmem:s21+$0x110];
	_ =	sdelay $0x1  }
0x33: {  	v3 =	vpop (erf)  }
0x34: {  	v3 =	vbroadcast v3, $0x8;
	_ =	sdelay $0x1  }
.Ltmp0:
0x35: {  	v1 =	vmul.f32 v3, v1;
	v2 =	vmul.f32 v3, v2;
	(pc) =	sbr.rel @p0 .LBB2_3-.Ltmp0, $4  }
0x36: {  	v3 =	vmul.f32 v3, v0  }
0x37: {  	[tilespmem:s21+$0x2100] =	vst v1  }
0x38: {  	s24 =	sshra.s32 s23, $0x2;
	[tilespmem:s21+$0x2110] =	vst v2  }
0x39: {  	s23 =	sadd.s32 $0xC0, s23;
	s22 =	sadd.s32 $0x10, s22;
	v0 =	vld [tilespmem:s24+$0x120];
	[tilespmem:s21+$0x2120] =	vst v3;
	s21 =	smov.u32 s24  }
0x3a: {  	v1 =	vld [tilespmem:s22+$0x0];
	_ =	sdelay $0x4  }
0x3b: {  	v1 =	vadd.f32 v1, v0;
	_ =	sdelay $0x1  }
0x3c: {  	v2 =	vmul.f32 $2.000000030e-01, v1;
	_ =	sdelay $0x1  }
0x3d: {  	v1 =	vmax.f32 v1, v2  }
0x3e: {  	v1 =	vmul.f32 $1.442695020e+00, v1;
	_ =	sdelay $0x1  }
0x3f: {  	(erf) = vpow2.f32 v1;
	_ =	sdelay $0x6  }
0x40: {  	v61 =	vld [tilespmem:s21+$0x100]  }
0x41: {  	v62 =	vld [tilespmem:s21+$0x110]  }
0x42: {  	v3 =	vpop (erf)  }
0x43: {  	v3 =	vbroadcast v3, $0x8;
	_ =	sdelay $0x1  }
0x44: {  	v1 =	vmul.f32 v3, v61  }
0x45: {  	v2 =	vmul.f32 v3, v62  }
0x46: {  	s20 =	sadd.s32 $0x1, s20;
	v63 =	vmul.f32 v3, v0;
	[tilespmem:s21+$0x2100] =	vst v1  }
0x47: {  	p0 =	sne.s32 s20, $0x51;
	[tilespmem:s21+$0x2110] =	vst v2  }
.Ltmp1:
0x48: {  	[tilespmem:s21+$0x2120] =	vst v63;
	(pc) =	sbr.rel @p0 .LBB2_2-.Ltmp1, $4  }
0x49: {  	[spmem:s3] =	stream.indirect.scatter.add.f32 [tilespmem:s19], [sflag:$0x3], $0x30, s15, s15, $0xb8;
	[tilespmem:$0xAF80] =	vst v63  }
0x4a: {  	_ =	swait.ge [sflag:s14], $0x1800  }
0x4b: {  	[sflag:s14] =	ssyncset.done $0x0  }
0x4c: {  	[sflag:s14] =	ssyncadd.s32 $0xFFFFE800  }
0x4d: {  	s4 =	sadd.s32 $0x1, s4  }
0x4e: {  	p0 =	sne.s32 s4, s12  }
.Ltmp2:
0x4f: {  	[bflag:$0x0] =	sbarrier.arrive $0xFFFF;
	(pc) =	sbr.rel @p0 .LBB2_1-.Ltmp2, $4  }
0x50: {  	[hbm:s11], [sflag:s9] =	dma.local [spmem:s13], $0xED0  }
0x51: {  	_ =	swait.ge [sflag:s14], $0xED0  }
0x52: {  	[sflag:s14] =	ssyncset.done $0x0  }
0x53: {  	[sflag:s14] =	ssyncadd.s32 $0xFFFFF130  }
0x54: {  	_ =	sfence.sel $0x180000  }
0x55: {  	[bflag:$0x0] =	sbarrier.arrive $0xFFFF  }
0x56: {  	p0 =	sne.s32 s1, $0x0;
	_ =	strace $0x9000004A  }
0x57: {  	s0 =	sadd.s32 @!p0 $0x100000, s0;
	[bflag:$0x2] =	sbarrier.arrive $0xFFFF  }
0x58: {  	[sflag:s0] =	ssyncadd.tile.s32 @!p0 $0x1;
	_ =	shalt  }
.Lfunc_end2:
_tile_overlayer_lowered:
.L_overlay_start_2:
0x59: {  	(tag) =	ssettag $0x2  }
0x5a: {  	s0 =	rddreg [dreg:$0x0];
	s2 =	stileid.u32  }
0x5b: {  	s1 =	rddreg [dreg:$0x1];
	p0 =	sne.s32 s2, $0x0  }
0x5c: {  	s3 =	rddreg [dreg:$0x2];
	[bflag:$0x3] =	sbarrier.arrive $0xFFFF;
	s2 =	simm.s32 @!p0 $0x1C03  }
0x5d: {  	[timem:s3], [sflag:s2] =	dma.local @!p0 [hbm:s0], s1  }
0x5e: {  	s0 =	simm.s32 @!p0 $0x3  }
0x5f: {  	_ =	swait.ge @!p0 [sflag:s0], s1  }
0x60: {  	s1 =	ssub.s32 @!p0 $0x0, s1;
	[sflag:s0] =	ssyncset.done @!p0 $0x0  }
0x61: {  	[sflag:s0] =	ssyncadd.s32 @!p0 s1  }
0x62: {  	[bflag:$0x3] =	sbarrier.arrive $0xFFFF  }
0x63: {  	_ =	shalt  }

// kernel: kernel.7.cloned.1.call-start
scs
__scs_entry_jumppad:
0x0: {  	(pc) =	sbr.rel $0x88, $3  }
0x1: {  	(tag) =	ssettag $0x0;
	lr =	simm.s32 $0x1  }
0x2: {  	[smem:$0x3F97] =	sst lr;
	_ =	strace $0xD0000000  }
0x3: {  	_ = 	snop  }
0x4: {  	_ = 	snop  }
0x5: {  	_ = 	snop  }
0x6: {  	_ = 	snop  }
0x7: {  	_ = 	snop  }
__scs_overlays_trampoline_lowered:
0x8: {  	[smem:$0x3FA6] =	sst s0  }
0x9: {  	[smem:$0x3FA7] =	sst s1  }
0xa: {  	[smem:$0x3FA8] =	sst s2  }
0xb: {  	[smem:$0x3FA9] =	sst s3  }
0xc: {  	[smem:$0x3FAA] =	sst s4  }
0xd: {  	[smem:$0x3FAB] =	sst s5  }
0xe: {  	[smem:$0x3FAC] =	sst s6  }
0xf: {  	[smem:$0x3FAD] =	sst s7  }
0x10: {  	[smem:$0x3FAE] =	sst s8  }
0x11: {  	[smem:$0x3FAF] =	sst s9;
	s0 =	simm.s32 @!p0 $0x0  }
0x12: {  	s1 =	sld [smem:$0x3F95];
	s0 =	simm.s32 @p0 $0x1  }
0x13: {  	[smem:$0x3FB0] =	sst s0;
	s0 =	simm.s32 @!p1 $0x0  }
0x14: {  	s2 =	sld [smem:$0x3F94];
	s0 =	simm.s32 @p1 $0x1  }
0x15: {  	[smem:$0x3FB1] =	sst s0;
	s0 =	simm.s32 @!p2 $0x0  }
0x16: {  	s3 =	sld [smem:$0x3FDB];
	s0 =	simm.s32 @p2 $0x1  }
0x17: {  	s4 =	simm.s32 $0x1BF5;
	[smem:$0x3FB3] =	sst s0  }
0x18: {  	s0 =	sld [smem:$0x3F96];
	_ =	swait.ge [sflag:s4], $0x0  }
0x19: {  	s7 =	sld [smem:$0x3F97]  }
0x1a: {  	s8 =	sadd.s32 $0xFFFFE003, lr  }
0x1b: {  	s9 =	sadd.s32 $0xFFFFFEF7, lr;
	s5 =	simm.s32 $0xFFFFFFFF;
	p2 =	slt.u32 s8, $0xFFFFF086  }
0x1c: {  	p1 =	slt.u32 s9, $0xF7A;
	s5 =	simm.s32 @!p2 $0x0  }
0x1d: {  	s5 =	simm.s32 @p1 $0x1;
	p0 =	seq.s32 s7, s2  }
0x1e: {  	s7 =	smul.u32 @!p0 $0xF7A, s2;
	p2 =	seq.s32 @!p0 s5, $0x0  }
0x1f: {  	s9 =	smul.u32 $0xF7A, s1;
	s8 =	simm.s32 @!p0 $0x1BF5;
	p2 =	por !p2, p0  }
0x20: {  	[sflag:s8] =	ssyncset.s32 @!p0 $0xFFFFF086;
	s6 =	sadd.s32 @!p0 s3, s7;
	s7 =	simm.s32 @!p0 $0x108  }
0x21: {  	s3 =	sadd.s32 s3, s9;
	s6 =	sadd.s32 @!p0 $0x88, s6;
	s7 =	simm.s32 @p2 $0x1082  }
0x22: {  	[simem:s7], [sflag:s8] =	dma.local @!p0 [hbm:s6], $0xF7A  }
0x23: {  	s9 =	sor.u32 $0xD0000000, s2;
	s6 =	simm.s32 $0x108;
	_ =	swait.ge @!p0 [sflag:s8], $0x0  }
0x24: {  	s3 =	sadd.s32 $0x88, s3;
	s6 =	simm.s32 @!p1 $0x1082;
	[sflag:s4] =	ssyncset.s32 $0xFFFFF086  }
0x25: {  	[simem:s6], [sflag:s4] =	dma.local [hbm:s3], $0xF7A  }
0x26: {  	[smem:$0x3F97] =	sst s1;
	(tag) =	ssettag s2;
	_ =	strace s9  }
0x27: {  	s1 =	sld [smem:$0x3FA7]  }
0x28: {  	s2 =	sld [smem:$0x3FA8]  }
0x29: {  	s4 =	sld [smem:$0x3FAA]  }
0x2a: {  	p0 =	seq.s32 s5, $0x0;
	s5 =	sld [smem:$0x3FAB]  }
0x2b: {  	s6 =	sld [smem:$0x3FAC]  }
0x2c: {  	s7 =	sld [smem:$0x3FAD]  }
0x2d: {  	s3 =	simm.s32 $0x108;
	s8 =	sld [smem:$0x3FAE]  }
0x2e: {  	s3 =	simm.s32 @!p0 $0x1082;
	s9 =	sld [smem:$0x3FAF]  }
0x2f: {  	lr =	sadd.s32 s0, s3;
	s0 =	sld [smem:$0x3FA6]  }
0x30: {  	s3 =	sld [smem:$0x3FA9]  }
0x31: {  	[smem:$0x3FB2] =	sst s10  }
0x32: {  	s10 =	sld [smem:$0x3FB0];
	_ =	sdelay $0x3  }
0x33: {  	p0 =	seq.s32 s10, $0x1;
	s10 =	sld [smem:$0x3FB2];
	_ =	sdelay $0x3  }
0x34: {  	[smem:$0x3FB2] =	sst s10  }
0x35: {  	s10 =	sld [smem:$0x3FB1];
	_ =	sdelay $0x3  }
0x36: {  	p1 =	seq.s32 s10, $0x1;
	s10 =	sld [smem:$0x3FB2];
	_ =	sdelay $0x3  }
0x37: {  	[smem:$0x3FB2] =	sst s10  }
0x38: {  	s10 =	sld [smem:$0x3FB3]  }
0x39: {  	_ = 	snop;
	(pc) =	sbr.ind lr, $3  }
0x3a: {  	_ = 	snop  }
0x3b: {  	_ = 	snop  }
0x3c: {  	p2 =	seq.s32 s10, $0x1;
	s10 =	sld [smem:$0x3FB2]  }
0x3d: {  	_ =	shalt  }
0x3e: {  	_ =	shalt  }
0x3f: {  	_ =	shalt  }
0x40: {  	_ =	shalt  }
0x41: {  	_ =	shalt  }
0x42: {  	_ =	shalt  }
0x43: {  	_ =	shalt  }
0x44: {  	_ =	shalt  }
0x45: {  	_ =	shalt  }
0x46: {  	_ =	shalt  }
0x47: {  	_ =	shalt  }
0x48: {  	_ =	shalt  }
0x49: {  	_ =	shalt  }
0x4a: {  	_ =	shalt  }
0x4b: {  	_ =	shalt  }
0x4c: {  	_ =	shalt  }
0x4d: {  	_ =	shalt  }
0x4e: {  	_ =	shalt  }
0x4f: {  	_ =	shalt  }
0x50: {  	_ =	shalt  }
0x51: {  	_ =	shalt  }
0x52: {  	_ =	shalt  }
0x53: {  	_ =	shalt  }
0x54: {  	_ =	shalt  }
0x55: {  	_ =	shalt  }
0x56: {  	_ =	shalt  }
0x57: {  	_ =	shalt  }
0x58: {  	_ =	shalt  }
0x59: {  	_ =	shalt  }
0x5a: {  	_ =	shalt  }
0x5b: {  	_ =	shalt  }
0x5c: {  	_ =	shalt  }
0x5d: {  	_ =	shalt  }
0x5e: {  	_ =	shalt  }
0x5f: {  	_ =	shalt  }
0x60: {  	_ =	shalt  }
0x61: {  	_ =	shalt  }
0x62: {  	_ =	shalt  }
0x63: {  	_ =	shalt  }
0x64: {  	_ =	shalt  }
0x65: {  	_ =	shalt  }
0x66: {  	_ =	shalt  }
0x67: {  	_ =	shalt  }
0x68: {  	_ =	shalt  }
0x69: {  	_ =	shalt  }
0x6a: {  	_ =	shalt  }
0x6b: {  	_ =	shalt  }
0x6c: {  	_ =	shalt  }
0x6d: {  	_ =	shalt  }
0x6e: {  	_ =	shalt  }
0x6f: {  	_ =	shalt  }
0x70: {  	_ =	shalt  }
0x71: {  	_ =	shalt  }
0x72: {  	_ =	shalt  }
0x73: {  	_ =	shalt  }
0x74: {  	_ =	shalt  }
0x75: {  	_ =	shalt  }
0x76: {  	_ =	shalt  }
0x77: {  	_ =	shalt  }
0x78: {  	_ =	shalt  }
0x79: {  	_ =	shalt  }
0x7a: {  	_ =	shalt  }
0x7b: {  	_ =	shalt  }
0x7c: {  	_ =	shalt  }
0x7d: {  	_ =	shalt  }
0x7e: {  	_ =	shalt  }
0x7f: {  	_ =	shalt  }
0x80: {  	_ =	shalt  }
0x81: {  	_ =	shalt  }
0x82: {  	_ =	shalt  }
0x83: {  	_ =	shalt  }
0x84: {  	_ =	shalt  }
0x85: {  	_ =	shalt  }
0x86: {  	_ =	shalt  }
0x87: {  	_ =	shalt  }
.Lfunc_end0:
.L_simem_size_0:
called_computation_lowered:
.L_overlay_start_0:
0x88: {  	s2 =	sld [smem:$0x3FD9]  }
0x89: {  	s3 =	sld [smem:$0x3FFE];
	_ =	sdelay $0x1  }
0x8a: {  	s1 =	srdreg.scid  }
0x8b: {  	s0 =	sand.u32 $0x1, s1  }
0x8c: {  	s17 =	sshll.u32 s0, $0xA;
	s2 =	sadd.s32 s3, s2  }
0x8d: {  	s2 =	sadd.s32 s2, s17  }
0x8e: {  	[smem:$0x3FBE] =	sst s2  }
0x8f: {  	_ = 	snop  }
0x90: {  	s2 =	sld [smem:$0x3FD0];
	(tm) =	ssettm $0x1  }
0x91: {  	s18 =	sld [smem:$0x3FFB];
	_ =	sdelay $0x3  }
0x92: {  	_ =	strace s18  }
0x93: {  	s3 =	sld [smem:$0x3FFC];
	_ =	sdelay $0x3  }
0x94: {  	_ =	strace s3  }
0x95: {  	s3 =	sld [smem:$0x3FFD];
	_ =	sdelay $0x3  }
0x96: {  	_ =	strace s3  }
0x97: {  	_ =	strace $0x8FFFFFFF  }
0x98: {  	s19 =	sld [smem:$0x3FDB];
	_ =	sdelay $0x1  }
0x99: {  	s4 =	simm.s32 $_scs_section_size  }
0x9a: {  	s5 =	simm.s32 $_size__tile_overlayer_lowered;
	s6 =	simm.s32 $_tile_overlayer_lowered  }
0x9b: {  	s22 =	simm.s32 $0x1BFF;
	s21 =	sshll.u32 s6, $0x1;
	s3 =	sadd.s32 s4, s19  }
0x9c: {  	s7 =	simm.s32 $0x0;
	s20 =	sshll.u32 s5, $0x1;
	s5 =	sadd.s32 s21, s3  }
0x9d: {  	[timem:s7], [sflag:s22] =	dma.local [hbm:s5], s20  }
0x9e: {  	_ =	swait.ge [sflag:s22], s20  }
0x9f: {  	s4 =	ssub.s32 $0x0, s20;
	[sflag:s22] =	ssyncset.done $0x0  }
0xa0: {  	[sflag:s22] =	ssyncadd.s32 s4;
	_ =	sdelay $0x1  }
0xa1: {  	s23 =	simm.s32 $0x1B8B  }
0xa2: {  	_ =	swait.ge [sflag:s23], $0x1  }
0xa3: {  	[sflag:s23] =	ssyncset.done $0x0  }
0xa4: {  	s25 =	simm.s32 $0x1B8E;
	s24 =	sld [smem:$0x3FFE];
	[sflag:s23] =	ssyncadd.s32 $0xFFFFFFFF  }
0xa5: {  	s26 =	simm.s32 $execute0_lowered;
	[smem:$0x3FD2] =	sst s25  }
0xa6: {  	s5 =	sshll.u32 s26, $0x1;
	_ =	strace $0x80000046;
	[dreg:$0x1] =	wrdreg $0xFFFFFFFF  }
0xa7: {  	s28 =	simm.s32 $_size_execute0_lowered;
	s3 =	sadd.s32 s3, s5;
	[dreg:$0x0] =	wrdreg $0x0  }
0xa8: {  	s5 =	sshll.u32 s28, $0x1;
	[dreg:$0x2] =	wrdreg s3  }
0xa9: {  	[dreg:$0x3] =	wrdreg s5  }
0xaa: {  	[dreg:$0x4] =	wrdreg $0xC0  }
0xab: {  	_ =	task [dreg:s7], $0x5FFFF  }
0xac: {  	[dreg:$0x1] =	wrdreg $0xFFFFFFFF  }
0xad: {  	[dreg:$0x0] =	wrdreg $0x60  }
0xae: {  	[dreg:$0x2] =	wrdreg s24  }
0xaf: {  	[dreg:$0x3] =	wrdreg s2  }
0xb0: {  	[dreg:$0x4] =	wrdreg $0x99000  }
0xb1: {  	[dreg:$0x5] =	wrdreg $0x9  }
0xb2: {  	_ =	task.clear_ibuf [dreg:s7], $0x6FFFF;
	_ =	strace $0x90000046  }
0xb3: {  	s29 =	simm.s32 $0x9;
	_ =	strace $0x80000048  }
0xb4: {  	_ =	swait.ge [sflag:s29], $0x1  }
0xb5: {  	[sflag:s29] =	ssyncadd.s32 $0xFFFFFFFF  }
0xb6: {  	_ =	strace $0x90000048  }
0xb7: {  	_ =	sfence  }
0xb8: {  	s30 =	sld [smem:$0x0];
	_ =	sdelay $0x2  }
0xb9: {  	s31 =	sshll.u32 s1, $0xD;
	s1 =	sshrl.u32 s1, $0x2  }
0xba: {  	s3 =	sand.u32 $0x4000, s31;
	s1 =	sadd.s32 s1, s30  }
0xbb: {  	s0 =	sor.u32 s3, s0;
	s1 =	sshll.u32 s1, $0x11  }
0xbc: {  	s0 =	sor.u32 s1, s0  }
0xbd: {  	s0 =	sadd.s32 $0x8F2B, s0  }
0xbe: {  	[sflag:s0] =	ssyncadd.remote.s32 $0x1  }
0xbf: {  	_ =	sfence.sel $0xFFFF  }
0xc0: {  	[dreg:$0x0] =	wrdreg $0xFFFFFFFF;
	(pc) =	sbr.abs _section_cstart, $3  }
0xc1: {  	[dreg:$0x1] =	wrdreg $0xFFFFFFFF  }
0xc2: {  	_ =	task.clear_ibuf [dreg:s7], $0x2FFFF;
	_ =	strace $0x9FFFFFFF  }
0xc3: {  	(tm) =	ssettm $0x7FFFFFFF  }
tec
execute0_lowered:
.L_overlay_start_1:
0x0: {  	(tag) =	ssettag $0x1  }
0x1: {  	s8 =	rddreg [dreg:$0x0]  }
0x2: {  	s2 =	rddreg [dreg:$0x1]  }
0x3: {  	s3 =	rddreg [dreg:$0x2]  }
0x4: {  	s0 =	rddreg [dreg:$0x3];
	s4 =	simm.s32 $0x0;
	s1 =	stileid.u32  }
0x5: {  	s5 =	srdreg.scid;
	s15 =	simm.s32 $0x80;
	s16 =	simm.s32 $0x100  }
0x6: {  	s17 =	simm.s32 $0x1;
	s18 =	simm.s32 $0x2;
	s19 =	simm.s32 $0x5100  }
0x7: {  	[smem:$0x7FF] =	sst s4;
	s9 =	smul.u32 $0x16380, s1;
	s10 =	sand.u32 $0x1, s5  }
0x8: {  	s5 =	sadd.s32 $0xE00, s8;
	s6 =	sadd.s32 $0x2D600, s8;
	s7 =	sadd.s32 $0x32600, s8  }
0x9: {  	s31 =	sshll.u32 s1, $0x6;
	_ =	strace $0x80000047;
	s11 =	smul.u32 $0x163800, s10  }
0xa: {  	s13 =	ssub.s32 $0x2, s10;
	s29 =	sshll.u32 s10, $0x4;
	s12 =	sshrl.u32 s9, $0x3  }
0xb: {  	s14 =	sshrl.u32 s13, $0x1;
	s30 =	sadd.s32 s9, s3;
	s10 =	sor.u32 s1, s29  }
0xc: {  	s11 =	sadd.s32 s9, s11;
	s12 =	sadd.s32 s12, s8;
	s13 =	ssub.s32 s13, s14  }
0xd: {  	s9 =	sor.u32 $0x1C03, s31;
	s10 =	smul.u32 $0x2880, s10;
	s11 =	sshrl.u32 s11, $0x3  }
0xe: {  	s14 =	simm.s32 $0x3;
	s11 =	sadd.s32 s11, s8;
	s8 =	sadd.s32 $0x3C800, s12  }
0xf: {  	s12 =	smax.u32 s13, $0x1;
	s13 =	sshrl.u32 s30, $0x3;
	s11 =	sadd.s32 $0x69000, s11  }
.LBB2_1:
0x10: {  	[spmem:s13], [sflag:s9] =	dma.local [hbm:s8], $0x2C70  }
0x11: {  	_ =	swait.ge [sflag:s14], $0x2C70  }
0x12: {  	[sflag:s14] =	ssyncset.done $0x0  }
0x13: {  	[sflag:s14] =	ssyncadd.s32 $0xFFFFD390  }
0x14: {  	s20 =	simm.s32 $0x0;
	[bflag:$0x0] =	sbarrier.arrive $0xFFFF  }
.LBB2_2:
0x15: {  	s21 =	sshll.u32 s20, $0x7  }
0x16: {  	s21 =	sadd.s32 s10, s21  }
0x17: {  	s21 =	sshrl.u32 s21, $0x3  }
0x18: {  	s23 =	simm.s32 $0x0;
	s22 =	sadd.s32 s2, s21  }
0x19: {  	[tilespmem:s23], [sflag:$0x3] =	stream.linear.gather [hbm4b:s22+s23], $0x80, $0x38;
	[tilespmem:$0x1FC80] =	vst v63  }
0x1a: {  	_ =	swait.ge [sflag:s14], $0x80  }
0x1b: {  	[sflag:s14] =	ssyncset.done $0x0  }
0x1c: {  	s21 =	sadd.s32 s7, s21;
	[sflag:s14] =	ssyncadd.s32 $0xFFFFFF80  }
0x1d: {  	[tilespmem:s15], [sflag:$0x3] =	stream.linear.gather [hbm4b:s21+s23], $0x80, $0x38;
	[tilespmem:$0x1FC80] =	vst v63  }
0x1e: {  	_ =	swait.ge [sflag:s14], $0x80  }
0x1f: {  	[sflag:s14] =	ssyncset.done $0x0  }
0x20: {  	[sflag:s14] =	ssyncadd.s32 $0xFFFFFF80  }
0x21: {  	[tilespmem:s16], [sflag:$0x1] =	stream.indirect.gather [hbm4b:s5+s15], $0x90, s23, s15, $0xb8;
	[tilespmem:$0x1FC80] =	vst v63  }
0x22: {  	s22 =	simm.s32 $0x4900  }
0x23: {  	[tilespmem:s22], [sflag:$0x2] =	stream.indirect.gather [hbm4b:s6+s15], $0x10, s15, s15, $0xb8;
	[tilespmem:$0x1FC80] =	vst v63  }
0x24: {  	_ =	swait.ge [sflag:s17], $0x4800  }
0x25: {  	[sflag:s17] =	ssyncset.done $0x0  }
0x26: {  	[sflag:s17] =	ssyncadd.s32 $0xFFFFB800  }
0x27: {  	_ =	swait.ge [sflag:s18], $0x800  }
0x28: {  	[sflag:s18] =	ssyncset.done $0x0  }
0x29: {  	s21 =	simm.s32 $0x0;
	[sflag:s18] =	ssyncadd.s32 $0xFFFFF800  }
0x2a: {  	s23 =	simm.s32 $0x240;
	v0 =	vld [tilespmem:s21+$0x180]  }
.LBB2_3:
0x2b: {  	p0 =	sne.s32 s23, $0x11DC0;
	v1 =	vld [tilespmem:s22+$0x0];
	_ =	sdelay $0x4  }
0x2c: {  	v0 =	vadd.f32 v1, v0;
	_ =	sdelay $0x1  }
0x2d: {  	v1 =	vmul.f32 $2.000000030e-01, v0;
	_ =	sdelay $0x1  }
0x2e: {  	v0 =	vmax.f32 v0, v1  }
0x2f: {  	v0 =	vmul.f32 $1.442695020e+00, v0;
	_ =	sdelay $0x1  }
0x30: {  	(erf) = vpow2.f32 v0;
	_ =	sdelay $0x4  }
0x31: {  	v0 =	vld [tilespmem:s21+$0x100]  }
0x32: {  	v1 =	vld [tilespmem:s21+$0x110]  }
0x33: {  	v2 =	vld [tilespmem:s21+$0x120]  }
0x34: {  	v3 =	vld [tilespmem:s21+$0x130]  }
0x35: {  	v4 =	vld [tilespmem:s21+$0x140];
	v5 =	vpop (erf)  }
0x36: {  	[tilespmem:s21+$0x5180] =	vst v5;
	v6 =	vbroadcast v5, $0x0;
	v7 =	vbroadcast v5, $0x1;
	v8 =	vld [tilespmem:s21+$0x150]  }
0x37: {  	v9 =	vbroadcast v5, $0x2;
	v10 =	vbroadcast v5, $0x3;
	v11 =	vld [tilespmem:s21+$0x160]  }
0x38: {  	v0 =	vmul.f32 v6, v0;
	v1 =	vmul.f32 v7, v1;
	v6 =	vld [tilespmem:s21+$0x170]  }
0x39: {  	v2 =	vmul.f32 v9, v2;
	v3 =	vmul.f32 v3, v10  }
0x3a: {  	v7 =	vbroadcast v5, $0x5;
	[tilespmem:s21+$0x5100] =	vst v0;
	v0 =	vbroadcast v5, $0x4  }
0x3b: {  	[tilespmem:s21+$0x5110] =	vst v1;
	v1 =	vbroadcast v5, $0x6;
	v5 =	vbroadcast v5, $0x7  }
0x3c: {  	[tilespmem:s21+$0x5120] =	vst v2;
	v0 =	vmul.f32 v4, v0;
	v2 =	vmul.f32 v8, v7  }
.Ltmp0:
0x3d: {  	[tilespmem:s21+$0x5130] =	vst v3;
	v1 =	vmul.f32 v11, v1;
	v3 =	vmul.f32 v6, v5;
	(pc) =	sbr.rel @p0 .LBB2_3-.Ltmp0, $4  }
0x3e: {  	[tilespmem:s21+$0x5140] =	vst v0  }
0x3f: {  	[tilespmem:s21+$0x5150] =	vst v2  }
0x40: {  	s24 =	sshra.s32 s23, $0x2;
	[tilespmem:s21+$0x5160] =	vst v1  }
0x41: {  	s23 =	sadd.s32 $0x240, s23;
	s22 =	sadd.s32 $0x10, s22;
	v0 =	vld [tilespmem:s24+$0x180];
	[tilespmem:s21+$0x5170] =	vst v3;
	s21 =	smov.u32 s24  }
0x42: {  	v1 =	vld [tilespmem:s22+$0x0];
	_ =	sdelay $0x4  }
0x43: {  	v0 =	vadd.f32 v1, v0;
	_ =	sdelay $0x1  }
0x44: {  	v1 =	vmul.f32 $2.000000030e-01, v0;
	_ =	sdelay $0x1  }
0x45: {  	v0 =	vmax.f32 v0, v1  }
0x46: {  	v0 =	vmul.f32 $1.442695020e+00, v0;
	_ =	sdelay $0x1  }
0x47: {  	(erf) = vpow2.f32 v0;
	_ =	sdelay $0x6  }
0x48: {  	v54 =	vld [tilespmem:s21+$0x100]  }
0x49: {  	v55 =	vld [tilespmem:s21+$0x110]  }
0x4a: {  	v2 =	vld [tilespmem:s21+$0x120];
	v5 =	vpop (erf)  }
0x4b: {  	v3 =	vld [tilespmem:s21+$0x130];
	v6 =	vbroadcast v5, $0x0  }
0x4c: {  	v8 =	vld [tilespmem:s21+$0x150];
	v7 =	vbroadcast v5, $0x1  }
0x4d: {  	v57 =	vld [tilespmem:s21+$0x170];
	v9 =	vbroadcast v5, $0x2;
	v0 =	vmul.f32 v6, v54  }
0x4e: {  	v4 =	vld [tilespmem:s21+$0x140];
	[tilespmem:s21+$0x5180] =	vst v5;
	v56 =	vbroadcast v5, $0x3;
	v1 =	vmul.f32 v7, v55  }
0x4f: {  	v10 =	vld [tilespmem:s21+$0x160];
	v59 =	vbroadcast v5, $0x5;
	v2 =	vmul.f32 v9, v2;
	[tilespmem:s21+$0x5100] =	vst v0  }
0x50: {  	v61 =	vbroadcast v5, $0x7;
	v3 =	vmul.f32 v3, v56;
	[tilespmem:s21+$0x5110] =	vst v1  }
0x51: {  	v58 =	vbroadcast v5, $0x4;
	v62 =	vmul.f32 v8, v59;
	[tilespmem:s21+$0x5120] =	vst v2  }
0x52: {  	v60 =	vbroadcast v5, $0x6;
	v63 =	vmul.f32 v57, v61;
	[tilespmem:s21+$0x5130] =	vst v3  }
0x53: {  	v0 =	vmul.f32 v4, v58;
	[tilespmem:s21+$0x5150] =	vst v62  }
0x54: {  	s20 =	sadd.s32 $0x1, s20;
	v1 =	vmul.f32 v10, v60;
	[tilespmem:s21+$0x5170] =	vst v63  }
0x55: {  	p0 =	sne.s32 s20, $0x51;
	[tilespmem:s21+$0x5140] =	vst v0  }
.Ltmp1:
0x56: {  	[tilespmem:s21+$0x5160] =	vst v1;
	(pc) =	sbr.rel @p0 .LBB2_2-.Ltmp1, $4  }
0x57: {  	[spmem:s3] =	stream.indirect.scatter.add.f32 [tilespmem:s19], [sflag:$0x3], $0x90, s15, s15, $0xb8;
	[tilespmem:$0x1FC80] =	vst v63  }
0x58: {  	_ =	swait.ge [sflag:s14], $0x4800  }
0x59: {  	[sflag:s14] =	ssyncset.done $0x0  }
0x5a: {  	[sflag:s14] =	ssyncadd.s32 $0xFFFFB800  }
0x5b: {  	s4 =	sadd.s32 $0x1, s4  }
0x5c: {  	p0 =	sne.s32 s4, s12  }
.Ltmp2:
0x5d: {  	[bflag:$0x0] =	sbarrier.arrive $0xFFFF;
	(pc) =	sbr.rel @p0 .LBB2_1-.Ltmp2, $4  }
0x5e: {  	[hbm:s11], [sflag:s9] =	dma.local [spmem:s13], $0x2C70  }
0x5f: {  	_ =	swait.ge [sflag:s14], $0x2C70  }
0x60: {  	[sflag:s14] =	ssyncset.done $0x0  }
0x61: {  	[sflag:s14] =	ssyncadd.s32 $0xFFFFD390  }
0x62: {  	_ =	sfence.sel $0x180000  }
0x63: {  	[bflag:$0x0] =	sbarrier.arrive $0xFFFF  }
0x64: {  	p0 =	sne.s32 s1, $0x0;
	_ =	strace $0x90000047  }
0x65: {  	s0 =	sadd.s32 @!p0 $0x100000, s0;
	[bflag:$0x2] =	sbarrier.arrive $0xFFFF  }
0x66: {  	[sflag:s0] =	ssyncadd.tile.s32 @!p0 $0x1;
	_ =	shalt  }
.Lfunc_end2:
_tile_overlayer_lowered:
.L_overlay_start_2:
0x67: {  	(tag) =	ssettag $0x2  }
0x68: {  	s0 =	rddreg [dreg:$0x0];
	s2 =	stileid.u32  }
0x69: {  	s1 =	rddreg [dreg:$0x1];
	p0 =	sne.s32 s2, $0x0  }
0x6a: {  	s3 =	rddreg [dreg:$0x2];
	[bflag:$0x3] =	sbarrier.arrive $0xFFFF;
	s2 =	simm.s32 @!p0 $0x1C03  }
0x6b: {  	[timem:s3], [sflag:s2] =	dma.local @!p0 [hbm:s0], s1  }
0x6c: {  	s0 =	simm.s32 @!p0 $0x3  }
0x6d: {  	_ =	swait.ge @!p0 [sflag:s0], s1  }
0x6e: {  	s1 =	ssub.s32 @!p0 $0x0, s1;
	[sflag:s0] =	ssyncset.done @!p0 $0x0  }
0x6f: {  	[sflag:s0] =	ssyncadd.s32 @!p0 s1  }
0x70: {  	[bflag:$0x3] =	sbarrier.arrive $0xFFFF  }
0x71: {  	_ =	shalt  }

</sc_bundles>
